<compile_context>
chip_gen: v7x
topology: tpu7x:2x2x1
jax: 0.10.2.dev20260603
libtpu: 0.0.44.dev20260713+nightly
codegen_flags: <defaults>
</compile_context>

<pallas_src>
import functools

import jax
import jax.numpy as jnp
from jax import lax
from jax.experimental import pallas as pl
from jax.experimental.pallas import tpu as pltpu
from jax.experimental.pallas import tpu_sc as plsc

N_LAYERS = 8
D = 2048
ROW_BLOCK = 1024
BLOCKS_PER_LAYER = D // ROW_BLOCK
LANES = 16
CHUNKS = D // LANES
UNROLL = 8
MAX_FINITE_BITS = 0x7F7FFFFF


def _scores_body(w_ref, o_ref):
    b = pl.program_id(1)

    @pl.when(b == 0)
    def _():
        o_ref[...] = jnp.zeros_like(o_ref)

    w = w_ref[0]
    o_ref[...] += jnp.sum(w * w, axis=0)[None, None, :]


_scores_call = pl.pallas_call(
    _scores_body,
    grid=(N_LAYERS, BLOCKS_PER_LAYER),
    in_specs=[pl.BlockSpec((1, ROW_BLOCK, D), lambda i, b: (i, b, 0))],
    out_specs=pl.BlockSpec((1, 1, D), lambda i, b: (i, 0, 0)),
    out_shape=jax.ShapeDtypeStruct((N_LAYERS, 1, D), jnp.float32),
)


@functools.cache
def _build_select_call():
    return functools.partial(
        pl.kernel,
        mesh=plsc.VectorSubcoreMesh(core_axis_name="c", subcore_axis_name="s"),
        out_type=jax.ShapeDtypeStruct((LANES,), jnp.float32),
        scratch_types=[
            pltpu.VMEM((D,), jnp.float32),
            pltpu.VMEM((2 * LANES,), jnp.float32),
            pltpu.SemaphoreType.DMA,
            pltpu.SemaphoreType.DMA,
            pltpu.VMEM((LANES,), jnp.float32),
            pltpu.VMEM((N_LAYERS * LANES,), jnp.float32),
            pltpu.VMEM((LANES,), jnp.float32),
            pltpu.VMEM_SHARED((N_LAYERS * LANES,), jnp.float32),
        ],
        compiler_params=pltpu.CompilerParams(needs_layout_passes=False),
    )(_select_body)


def _select_body(scores_hbm, aux_hbm, out_hbm,
                 scores_v, aux_v, sem1, sem2, row_v, prod_v, out_v, shared):
    c = lax.axis_index("c")
    sid = lax.axis_index("s")
    lane = lax.iota(jnp.int32, LANES)

    @pl.when((c == 0) & (sid < N_LAYERS))
    def _():
        layer = sid
        h1 = pltpu.async_copy(scores_hbm.at[layer], scores_v, sem1)
        h2 = pltpu.async_copy(aux_hbm, aux_v, sem2)
        h2.wait()
        h1.wait()
        mask = lane == layer
        s_vec = aux_v[pl.ds(0, LANES)]
        y_vec = aux_v[pl.ds(LANES, LANES)]
        t_vec = s_vec.astype(jnp.int32)
        k_vec = t_vec + jnp.where(t_vec.astype(jnp.float32) < s_vec, 1, 0)
        k_vec = jnp.minimum(jnp.maximum(k_vec, 0), D)
        k = jnp.sum(jnp.where(mask, k_vec, 0))

        def mmbody(jj, mnmx):
            mn, mx = mnmx
            for u in range(UNROLL):
                v = plsc.bitcast(
                    scores_v[pl.ds((jj * UNROLL + u) * LANES, LANES)],
                    jnp.int32)
                mn = jnp.minimum(mn, v)
                mx = jnp.maximum(mx, v)
            return (mn, mx)

        mn_v, mx_v = lax.fori_loop(
            0, CHUNKS // UNROLL, mmbody,
            (jnp.full((LANES,), MAX_FINITE_BITS, jnp.int32),
             jnp.zeros((LANES,), jnp.int32)))

        def count_le(mid):
            mid_vec = jnp.full((LANES,), mid, dtype=jnp.int32)

            def cbody(jj, cnt):
                for u in range(UNROLL):
                    v = plsc.bitcast(
                        scores_v[pl.ds((jj * UNROLL + u) * LANES, LANES)],
                        jnp.int32)
                    cnt = cnt + jnp.where(v <= mid_vec, 1, 0)
                return cnt

            cnt = lax.fori_loop(0, CHUNKS // UNROLL, cbody,
                                jnp.zeros((LANES,), jnp.int32))
            return jnp.sum(cnt)

        def bcond(lohi):
            lo, hi = lohi
            return lo < hi

        def bbody(lohi):
            lo, hi = lohi
            mid = lo + ((hi - lo) >> 1)
            ge = count_le(mid) >= k
            return (jnp.where(ge, lo, mid + 1), jnp.where(ge, mid, hi))

        lo, _ = lax.while_loop(
            bcond, bbody, (jnp.min(mn_v), jnp.max(mx_v)))
        t_bits = jnp.full((LANES,), lo, dtype=jnp.int32)

        def fbody(jj, carry):
            sm, cl = carry
            for u in range(UNROLL):
                sv = scores_v[pl.ds((jj * UNROLL + u) * LANES, LANES)]
                bv = plsc.bitcast(sv, jnp.int32)
                lt = bv < t_bits
                sm = sm + jnp.where(lt, sv, 0.0)
                cl = cl + jnp.where(lt, 1, 0)
            return (sm, cl)

        sm, cl = lax.fori_loop(
            0, CHUNKS // UNROLL, fbody,
            (jnp.zeros((LANES,), jnp.float32), jnp.zeros((LANES,), jnp.int32)))
        sum_lt = jnp.sum(sm)
        cnt_lt = jnp.sum(cl)
        rem_vec = jnp.full((LANES,), k - cnt_lt, dtype=jnp.int32)
        val_vec = (jnp.full((LANES,), sum_lt, dtype=jnp.float32)
                   + rem_vec.astype(jnp.float32)
                   * plsc.bitcast(t_bits, jnp.float32))
        row_v[...] = jnp.where(mask, y_vec * val_vec, 0.0)
        pltpu.sync_copy(row_v, shared.at[pl.ds(layer * LANES, LANES)])

    plsc.subcore_barrier()

    @pl.when((c == 0) & (sid == 0))
    def _():
        pltpu.sync_copy(shared, prod_v)

        def abody(j, acc):
            return acc + prod_v[pl.ds(j * LANES, LANES)]

        acc = lax.fori_loop(0, N_LAYERS, abody,
                            jnp.zeros((LANES,), jnp.float32))
        out_v[...] = jnp.full((LANES,), jnp.sum(acc), dtype=jnp.float32)
        pltpu.sync_copy(out_v, out_hbm)


def kernel(weights, s, y):
    scores = _scores_call(weights).reshape(N_LAYERS, D)
    aux = jnp.zeros((2 * LANES,), jnp.float32)
    aux = aux.at[:N_LAYERS].set(s).at[LANES:LANES + N_LAYERS].set(y)
    out16 = _build_select_call()(scores, aux)
    return out16[0]

# --- scband reference (transcript-rebuilt; emitter-appended) ---
"""Pipeline reference for scband-rc-cp-mini-max-69441031242500 (READ-ONLY COPY).

The authoritative reference and input builder live on the scoring server;
editing this copy changes nothing except your own understanding.
"""

import jax, jax.numpy as jnp
import numpy as np


def setup_inputs(seed: int = 0) -> dict:
    key = jax.random.key(seed)
    k1, k2, k3 = jax.random.split(key, 3)
    n_layers, d = 8, 2048
    weights = jax.random.normal(k1, (n_layers, d, d), dtype=jnp.float32)
    s = jax.random.uniform(k2, (n_layers,), dtype=jnp.float32) * 1024.0
    y = jax.random.uniform(k3, (n_layers,), dtype=jnp.float32)
    return {"weights": weights, "s": s, "y": y}


def reference(weights, s, y):
    # Faithful translation of RC_CP_MiniMax.sloss1 with punit=1, group_size=1,
    # bncp_layers_dict[layer] != 0 branch (scores = (W**2).sum(0)).
    n_layers = weights.shape[0]
    d = weights.shape[2]
    vals = []
    for i in range(n_layers):
        # weight_list_to_scores: sum over layer group of (weight**2).sum(0)
        scores = jnp.sum(weights[i] ** 2, axis=0)  # [d]
        # ceiled_s -> ste_ceil(s); LeastSsum.forward: idx = int(ceil(s))+1
        idx = jnp.ceil(s[i]).astype(jnp.int32) + 1
        # torch.topk(vec, idx, largest=False, sorted=True)[0] == smallest idx values ascending
        least = -jax.lax.top_k(-scores, d)[0]
        masked = jnp.where(jnp.arange(d) < idx - 1, least, jnp.float32(0.0))
        vals.append(jnp.where(idx <= d, jnp.sum(masked), jnp.sum(scores)))
    w_s_norm = jnp.stack(vals)
    # self.y.data.dot(w_s_norm)
    return jnp.dot(y, w_s_norm)

if __name__ == "__main__":
    import jax
    _d = setup_inputs()
    print(jax.jit(kernel)(*tuple(_d.values())))

</pallas_src>

<mosaic_0001>
#map = affine_map<(d0, d1) -> (0, 0)>
#map1 = affine_map<(d0, d1) -> (0)>
module attributes {stable_mosaic.version = 14 : i64} {
  func.func @_select_body(%arg0: i32, %arg1: i32, %arg2: memref<8x2048xf32, #tpu.memory_space<hbm>>, %arg3: memref<32xf32, #tpu.memory_space<hbm>>, %arg4: memref<16xf32, #tpu.memory_space<hbm>>, %arg5: memref<2048xf32, #tpu.memory_space<vmem>>, %arg6: memref<32xf32, #tpu.memory_space<vmem>>, %arg7: memref<!tpu.dma_semaphore, #tpu.memory_space<semaphore_mem>>, %arg8: memref<!tpu.dma_semaphore, #tpu.memory_space<semaphore_mem>>, %arg9: memref<16xf32, #tpu.memory_space<vmem>>, %arg10: memref<128xf32, #tpu.memory_space<vmem>>, %arg11: memref<16xf32, #tpu.memory_space<vmem>>, %arg12: memref<128xf32, #tpu.memory_space<vmem_shared>>) attributes {dimension_semantics = [#tpu.dimension_semantics<core_parallel>, #tpu.dimension_semantics<subcore_parallel>], iteration_bounds = array<i64: 2, 16>, scalar_prefetch = 0 : i64, scratch_operands = 8 : i64, tpu.core_type = #tpu.core_type<sc_vector_subcore>, window_params = [{transform_indices = #map}, {transform_indices = #map1}, {transform_indices = #map1}]} {
    %iota3A = tpu.iota {dimensions = array<i32: 0>} : vector<16xi32>
    %eq3A = arith.constant 0 : i32
    %eq3A_0 = arith.cmpi eq, %arg0, %eq3A : i32
    %lt3A = arith.constant 8 : i32
    %lt3A_1 = arith.cmpi slt, %arg1, %lt3A : i32
    %and3A = arith.andi %eq3A_0, %lt3A_1 : i1
    %convert_element_type3A = arith.extui %and3A : i1 to i32
    %cond3A = arith.constant 0 : i32
    %cond3A_2 = arith.cmpi ne, %convert_element_type3A, %cond3A : i32
    scf.if %cond3A_2 {
      %dma_start3A = arith.constant 0 : i32
      %dma_start3A_11 = tpu.memref_slice %arg2[%arg1, %dma_start3A] : memref<8x2048xf32, #tpu.memory_space<hbm>> -> memref<1x2048xf32, #tpu.memory_space<hbm>>
      %dma_start3A_12 = tpu.memref_squeeze %dma_start3A_11 : memref<1x2048xf32, #tpu.memory_space<hbm>> -> memref<2048xf32, #tpu.memory_space<hbm>>
      %dma_start3A_13 = arith.constant 0 : i32
      %dma_start3A_14 = tpu.memref_slice %arg2[%arg1, %dma_start3A_13] : memref<8x2048xf32, #tpu.memory_space<hbm>> -> memref<1x2048xf32, #tpu.memory_space<hbm>>
      %dma_start3A_15 = tpu.memref_squeeze %dma_start3A_14 : memref<1x2048xf32, #tpu.memory_space<hbm>> -> memref<2048xf32, #tpu.memory_space<hbm>>
      tpu.enqueue_dma source(%dma_start3A_15 : memref<2048xf32, #tpu.memory_space<hbm>>) target(%arg5 : memref<2048xf32, #tpu.memory_space<vmem>>) target_semaphore(%arg7 : memref<!tpu.dma_semaphore, #tpu.memory_space<semaphore_mem>>)
      tpu.enqueue_dma source(%arg3 : memref<32xf32, #tpu.memory_space<hbm>>) target(%arg6 : memref<32xf32, #tpu.memory_space<vmem>>) target_semaphore(%arg8 : memref<!tpu.dma_semaphore, #tpu.memory_space<semaphore_mem>>)
      tpu.wait_dma2 semaphore(%arg8 : memref<!tpu.dma_semaphore, #tpu.memory_space<semaphore_mem>>) src(%arg3 : memref<32xf32, #tpu.memory_space<hbm>>) dst(%arg6 : memref<32xf32, #tpu.memory_space<vmem>>)
      %dma_wait3A = arith.constant 0 : i32
      %dma_wait3A_16 = tpu.memref_slice %arg2[%arg1, %dma_wait3A] : memref<8x2048xf32, #tpu.memory_space<hbm>> -> memref<1x2048xf32, #tpu.memory_space<hbm>>
      %dma_wait3A_17 = tpu.memref_squeeze %dma_wait3A_16 : memref<1x2048xf32, #tpu.memory_space<hbm>> -> memref<2048xf32, #tpu.memory_space<hbm>>
      %dma_wait3A_18 = arith.constant 0 : i32
      %dma_wait3A_19 = tpu.memref_slice %arg2[%arg1, %dma_wait3A_18] : memref<8x2048xf32, #tpu.memory_space<hbm>> -> memref<1x2048xf32, #tpu.memory_space<hbm>>
      %dma_wait3A_20 = tpu.memref_squeeze %dma_wait3A_19 : memref<1x2048xf32, #tpu.memory_space<hbm>> -> memref<2048xf32, #tpu.memory_space<hbm>>
      tpu.wait_dma2 semaphore(%arg7 : memref<!tpu.dma_semaphore, #tpu.memory_space<semaphore_mem>>) src(%dma_wait3A_20 : memref<2048xf32, #tpu.memory_space<hbm>>) dst(%arg5 : memref<2048xf32, #tpu.memory_space<vmem>>)
      %eq3A_21 = vector.broadcast %arg1 : i32 to vector<16xi32>
      %eq3A_22 = arith.cmpi eq, %iota3A, %eq3A_21 : vector<16xi32>
      %get3A = arith.constant 0 : index
      %get3A_23 = tpu.vector_load %arg6[%get3A] {strides = array<i32>} : memref<32xf32, #tpu.memory_space<vmem>>, vector<16xf32>,
      %get3A_24 = arith.constant 16 : index
      %get3A_25 = tpu.vector_load %arg6[%get3A_24] {strides = array<i32>} : memref<32xf32, #tpu.memory_space<vmem>>, vector<16xf32>,
      %convert_element_type3A_26 = arith.fptosi %get3A_23 : vector<16xf32> to vector<16xi32>
      %convert_element_type3A_27 = arith.sitofp %convert_element_type3A_26 : vector<16xi32> to vector<16xf32>
      %lt3A_28 = arith.cmpf olt, %convert_element_type3A_27, %get3A_23 : vector<16xf32>
      %jit3A = arith.constant 1 : i32
      %jit3A_29 = arith.constant 0 : i32
      %broadcast_in_dim3A = vector.broadcast %jit3A : i32 to vector<16xi32>
      %broadcast_in_dim3A_30 = vector.broadcast %jit3A_29 : i32 to vector<16xi32>
      %select_n3A = arith.select %lt3A_28, %broadcast_in_dim3A, %broadcast_in_dim3A_30 : vector<16xi1>, vector<16xi32>
      %add3A = arith.addi %convert_element_type3A_26, %select_n3A : vector<16xi32>
      %max3A = arith.constant 0 : i32
      %max3A_31 = vector.broadcast %max3A : i32 to vector<16xi32>
      %max3A_32 = arith.maxsi %add3A, %max3A_31 : vector<16xi32>
      %min3A = arith.constant 2048 : i32
      %min3A_33 = vector.broadcast %min3A : i32 to vector<16xi32>
      %min3A_34 = arith.minsi %max3A_32, %min3A_33 : vector<16xi32>
      %jit3A_35 = arith.constant 0 : i32
      %broadcast_in_dim3A_36 = vector.broadcast %jit3A_35 : i32 to vector<16xi32>
      %select_n3A_37 = arith.select %eq3A_22, %min3A_34, %broadcast_in_dim3A_36 : vector<16xi1>, vector<16xi32>
      %reduce_sum3A = arith.constant true
      %reduce_sum3A_38 = vector.broadcast %reduce_sum3A : i1 to vector<16xi1>
      %reduce_sum3A_39 = tpu.scan <sum>, %select_n3A_37 masked %reduce_sum3A_38 : vector<16xi32>, vector<16xi1> -> vector<16xi32>
      %reduce_sum3A_40 = vector.extract %reduce_sum3A_39[15] : i32 from vector<16xi32>
      %broadcast_in_dim3A_41 = arith.constant 2139095039 : i32
      %broadcast_in_dim3A_42 = vector.broadcast %broadcast_in_dim3A_41 : i32 to vector<16xi32>
      %broadcast_in_dim3A_43 = arith.constant 0 : i32
      %broadcast_in_dim3A_44 = vector.broadcast %broadcast_in_dim3A_43 : i32 to vector<16xi32>
      %scan3A = arith.constant 0 : i32
      %scan3A_45 = arith.constant 16 : i32
      %scan3A_46 = arith.addi %scan3A, %scan3A_45 : i32
      %scan3A_47 = arith.constant 1 : i32
      %scan3A_48:2 = scf.for %scan3A_94 = %scan3A to %scan3A_46 step %scan3A_47 iter_args(%scan3A_95 = %broadcast_in_dim3A_42, %scan3A_96 = %broadcast_in_dim3A_44) -> (vector<16xi32>, vector<16xi32>)  : i32 {
        %mul3A_97 = arith.constant 8 : i32
        %mul3A_98 = arith.muli %scan3A_94, %mul3A_97 : i32
        %add3A_99 = arith.constant 0 : i32
        %add3A_100 = arith.addi %mul3A_98, %add3A_99 : i32
        %mul3A_101 = arith.constant 16 : i32
        %mul3A_102 = arith.muli %add3A_100, %mul3A_101 : i32
        %get3A_103 = arith.index_cast %mul3A_102 : i32 to index
        %get3A_104 = tpu.vector_load %arg5[%get3A_103] {strides = array<i32>} : memref<2048xf32, #tpu.memory_space<vmem>>, vector<16xf32>,
        %bitcast3A_105 = vector.bitcast %get3A_104 : vector<16xf32> to vector<16xi32>
        %min3A_106 = arith.minsi %scan3A_95, %bitcast3A_105 : vector<16xi32>
        %max3A_107 = arith.maxsi %scan3A_96, %bitcast3A_105 : vector<16xi32>
        %mul3A_108 = arith.constant 8 : i32
        %mul3A_109 = arith.muli %scan3A_94, %mul3A_108 : i32
        %add3A_110 = arith.constant 1 : i32
        %add3A_111 = arith.addi %mul3A_109, %add3A_110 : i32
        %mul3A_112 = arith.constant 16 : i32
        %mul3A_113 = arith.muli %add3A_111, %mul3A_112 : i32
        %get3A_114 = arith.index_cast %mul3A_113 : i32 to index
        %get3A_115 = tpu.vector_load %arg5[%get3A_114] {strides = array<i32>} : memref<2048xf32, #tpu.memory_space<vmem>>, vector<16xf32>,
        %bitcast3A_116 = vector.bitcast %get3A_115 : vector<16xf32> to vector<16xi32>
        %min3A_117 = arith.minsi %min3A_106, %bitcast3A_116 : vector<16xi32>
        %max3A_118 = arith.maxsi %max3A_107, %bitcast3A_116 : vector<16xi32>
        %mul3A_119 = arith.constant 8 : i32
        %mul3A_120 = arith.muli %scan3A_94, %mul3A_119 : i32
        %add3A_121 = arith.constant 2 : i32
        %add3A_122 = arith.addi %mul3A_120, %add3A_121 : i32
        %mul3A_123 = arith.constant 16 : i32
        %mul3A_124 = arith.muli %add3A_122, %mul3A_123 : i32
        %get3A_125 = arith.index_cast %mul3A_124 : i32 to index
        %get3A_126 = tpu.vector_load %arg5[%get3A_125] {strides = array<i32>} : memref<2048xf32, #tpu.memory_space<vmem>>, vector<16xf32>,
        %bitcast3A_127 = vector.bitcast %get3A_126 : vector<16xf32> to vector<16xi32>
        %min3A_128 = arith.minsi %min3A_117, %bitcast3A_127 : vector<16xi32>
        %max3A_129 = arith.maxsi %max3A_118, %bitcast3A_127 : vector<16xi32>
        %mul3A_130 = arith.constant 8 : i32
        %mul3A_131 = arith.muli %scan3A_94, %mul3A_130 : i32
        %add3A_132 = arith.constant 3 : i32
        %add3A_133 = arith.addi %mul3A_131, %add3A_132 : i32
        %mul3A_134 = arith.constant 16 : i32
        %mul3A_135 = arith.muli %add3A_133, %mul3A_134 : i32
        %get3A_136 = arith.index_cast %mul3A_135 : i32 to index
        %get3A_137 = tpu.vector_load %arg5[%get3A_136] {strides = array<i32>} : memref<2048xf32, #tpu.memory_space<vmem>>, vector<16xf32>,
        %bitcast3A_138 = vector.bitcast %get3A_137 : vector<16xf32> to vector<16xi32>
        %min3A_139 = arith.minsi %min3A_128, %bitcast3A_138 : vector<16xi32>
        %max3A_140 = arith.maxsi %max3A_129, %bitcast3A_138 : vector<16xi32>
        %mul3A_141 = arith.constant 8 : i32
        %mul3A_142 = arith.muli %scan3A_94, %mul3A_141 : i32
        %add3A_143 = arith.constant 4 : i32
        %add3A_144 = arith.addi %mul3A_142, %add3A_143 : i32
        %mul3A_145 = arith.constant 16 : i32
        %mul3A_146 = arith.muli %add3A_144, %mul3A_145 : i32
        %get3A_147 = arith.index_cast %mul3A_146 : i32 to index
        %get3A_148 = tpu.vector_load %arg5[%get3A_147] {strides = array<i32>} : memref<2048xf32, #tpu.memory_space<vmem>>, vector<16xf32>,
        %bitcast3A_149 = vector.bitcast %get3A_148 : vector<16xf32> to vector<16xi32>
        %min3A_150 = arith.minsi %min3A_139, %bitcast3A_149 : vector<16xi32>
        %max3A_151 = arith.maxsi %max3A_140, %bitcast3A_149 : vector<16xi32>
        %mul3A_152 = arith.constant 8 : i32
        %mul3A_153 = arith.muli %scan3A_94, %mul3A_152 : i32
        %add3A_154 = arith.constant 5 : i32
        %add3A_155 = arith.addi %mul3A_153, %add3A_154 : i32
        %mul3A_156 = arith.constant 16 : i32
        %mul3A_157 = arith.muli %add3A_155, %mul3A_156 : i32
        %get3A_158 = arith.index_cast %mul3A_157 : i32 to index
        %get3A_159 = tpu.vector_load %arg5[%get3A_158] {strides = array<i32>} : memref<2048xf32, #tpu.memory_space<vmem>>, vector<16xf32>,
        %bitcast3A_160 = vector.bitcast %get3A_159 : vector<16xf32> to vector<16xi32>
        %min3A_161 = arith.minsi %min3A_150, %bitcast3A_160 : vector<16xi32>
        %max3A_162 = arith.maxsi %max3A_151, %bitcast3A_160 : vector<16xi32>
        %mul3A_163 = arith.constant 8 : i32
        %mul3A_164 = arith.muli %scan3A_94, %mul3A_163 : i32
        %add3A_165 = arith.constant 6 : i32
        %add3A_166 = arith.addi %mul3A_164, %add3A_165 : i32
        %mul3A_167 = arith.constant 16 : i32
        %mul3A_168 = arith.muli %add3A_166, %mul3A_167 : i32
        %get3A_169 = arith.index_cast %mul3A_168 : i32 to index
        %get3A_170 = tpu.vector_load %arg5[%get3A_169] {strides = array<i32>} : memref<2048xf32, #tpu.memory_space<vmem>>, vector<16xf32>,
        %bitcast3A_171 = vector.bitcast %get3A_170 : vector<16xf32> to vector<16xi32>
        %min3A_172 = arith.minsi %min3A_161, %bitcast3A_171 : vector<16xi32>
        %max3A_173 = arith.maxsi %max3A_162, %bitcast3A_171 : vector<16xi32>
        %mul3A_174 = arith.constant 8 : i32
        %mul3A_175 = arith.muli %scan3A_94, %mul3A_174 : i32
        %add3A_176 = arith.constant 7 : i32
        %add3A_177 = arith.addi %mul3A_175, %add3A_176 : i32
        %mul3A_178 = arith.constant 16 : i32
        %mul3A_179 = arith.muli %add3A_177, %mul3A_178 : i32
        %get3A_180 = arith.index_cast %mul3A_179 : i32 to index
        %get3A_181 = tpu.vector_load %arg5[%get3A_180] {strides = array<i32>} : memref<2048xf32, #tpu.memory_space<vmem>>, vector<16xf32>,
        %bitcast3A_182 = vector.bitcast %get3A_181 : vector<16xf32> to vector<16xi32>
        %min3A_183 = arith.minsi %min3A_172, %bitcast3A_182 : vector<16xi32>
        %max3A_184 = arith.maxsi %max3A_173, %bitcast3A_182 : vector<16xi32>
        scf.yield %min3A_183, %max3A_184 : vector<16xi32>, vector<16xi32>
      }
      %scan3A_49 = arith.constant 16 : i32
      %reduce_min3A = arith.constant true
      %reduce_min3A_50 = vector.broadcast %reduce_min3A : i1 to vector<16xi1>
      %reduce_min3A_51 = arith.constant -2147483648 : i32
      %reduce_min3A_52 = vector.broadcast %reduce_min3A_51 : i32 to vector<16xi32>
      %reduce_min3A_53 = arith.xori %scan3A_48#0, %reduce_min3A_52 : vector<16xi32>
      %reduce_min3A_54 = tpu.scan <min>, %reduce_min3A_53 masked %reduce_min3A_50 : vector<16xi32>, vector<16xi1> -> vector<16xi32>
      %reduce_min3A_55 = arith.xori %reduce_min3A_54, %reduce_min3A_52 : vector<16xi32>
      %reduce_min3A_56 = vector.extract %reduce_min3A_55[15] : i32 from vector<16xi32>
      %reduce_max3A = arith.constant true
      %reduce_max3A_57 = vector.broadcast %reduce_max3A : i1 to vector<16xi1>
      %reduce_max3A_58 = arith.constant -2147483648 : i32
      %reduce_max3A_59 = vector.broadcast %reduce_max3A_58 : i32 to vector<16xi32>
      %reduce_max3A_60 = arith.xori %scan3A_48#1, %reduce_max3A_59 : vector<16xi32>
      %reduce_max3A_61 = tpu.scan <max>, %reduce_max3A_60 masked %reduce_max3A_57 : vector<16xi32>, vector<16xi1> -> vector<16xi32>
      %reduce_max3A_62 = arith.xori %reduce_max3A_61, %reduce_max3A_59 : vector<16xi32>
      %reduce_max3A_63 = vector.extract %reduce_max3A_62[15] : i32 from vector<16xi32>
      %while3A:2 = scf.while (%while3A_94 = %reduce_min3A_56, %while3A_95 = %reduce_max3A_63) : (i32, i32) -> (i32, i32) {
        %lt3A_96 = arith.cmpi slt, %while3A_94, %while3A_95 : i32
        scf.condition(%lt3A_96) %while3A_94, %while3A_95 : i32, i32
      } do {
      ^bb0(%while3A_94: i32, %while3A_95: i32):
        %sub3A_96 = arith.subi %while3A_95, %while3A_94 : i32
        %shift_right_arithmetic3A = arith.constant 1 : i32
        %shift_right_arithmetic3A_97 = arith.shrsi %sub3A_96, %shift_right_arithmetic3A : i32
        %add3A_98 = arith.addi %while3A_94, %shift_right_arithmetic3A_97 : i32
        %broadcast_in_dim3A_99 = vector.broadcast %add3A_98 : i32 to vector<16xi32>
        %broadcast_in_dim3A_100 = arith.constant 0 : i32
        %broadcast_in_dim3A_101 = vector.broadcast %broadcast_in_dim3A_100 : i32 to vector<16xi32>
        %scan3A_102 = arith.constant 0 : i32
        %scan3A_103 = arith.constant 16 : i32
        %scan3A_104 = arith.addi %scan3A_102, %scan3A_103 : i32
        %scan3A_105 = arith.constant 1 : i32
        %scan3A_106 = scf.for %scan3A_116 = %scan3A_102 to %scan3A_104 step %scan3A_105 iter_args(%scan3A_117 = %broadcast_in_dim3A_101) -> (vector<16xi32>)  : i32 {
          %mul3A_118 = arith.constant 8 : i32
          %mul3A_119 = arith.muli %scan3A_116, %mul3A_118 : i32
          %add3A_120 = arith.constant 0 : i32
          %add3A_121 = arith.addi %mul3A_119, %add3A_120 : i32
          %mul3A_122 = arith.constant 16 : i32
          %mul3A_123 = arith.muli %add3A_121, %mul3A_122 : i32
          %get3A_124 = arith.index_cast %mul3A_123 : i32 to index
          %get3A_125 = tpu.vector_load %arg5[%get3A_124] {strides = array<i32>} : memref<2048xf32, #tpu.memory_space<vmem>>, vector<16xf32>,
          %bitcast3A_126 = vector.bitcast %get3A_125 : vector<16xf32> to vector<16xi32>
          %le3A = arith.cmpi sle, %bitcast3A_126, %broadcast_in_dim3A_99 : vector<16xi32>
          %jit3A_127 = arith.constant 1 : i32
          %jit3A_128 = arith.constant 0 : i32
          %broadcast_in_dim3A_129 = vector.broadcast %jit3A_127 : i32 to vector<16xi32>
          %broadcast_in_dim3A_130 = vector.broadcast %jit3A_128 : i32 to vector<16xi32>
          %select_n3A_131 = arith.select %le3A, %broadcast_in_dim3A_129, %broadcast_in_dim3A_130 : vector<16xi1>, vector<16xi32>
          %add3A_132 = arith.addi %scan3A_117, %select_n3A_131 : vector<16xi32>
          %mul3A_133 = arith.constant 8 : i32
          %mul3A_134 = arith.muli %scan3A_116, %mul3A_133 : i32
          %add3A_135 = arith.constant 1 : i32
          %add3A_136 = arith.addi %mul3A_134, %add3A_135 : i32
          %mul3A_137 = arith.constant 16 : i32
          %mul3A_138 = arith.muli %add3A_136, %mul3A_137 : i32
          %get3A_139 = arith.index_cast %mul3A_138 : i32 to index
          %get3A_140 = tpu.vector_load %arg5[%get3A_139] {strides = array<i32>} : memref<2048xf32, #tpu.memory_space<vmem>>, vector<16xf32>,
          %bitcast3A_141 = vector.bitcast %get3A_140 : vector<16xf32> to vector<16xi32>
          %le3A_142 = arith.cmpi sle, %bitcast3A_141, %broadcast_in_dim3A_99 : vector<16xi32>
          %jit3A_143 = arith.constant 1 : i32
          %jit3A_144 = arith.constant 0 : i32
          %broadcast_in_dim3A_145 = vector.broadcast %jit3A_143 : i32 to vector<16xi32>
          %broadcast_in_dim3A_146 = vector.broadcast %jit3A_144 : i32 to vector<16xi32>
          %select_n3A_147 = arith.select %le3A_142, %broadcast_in_dim3A_145, %broadcast_in_dim3A_146 : vector<16xi1>, vector<16xi32>
          %add3A_148 = arith.addi %add3A_132, %select_n3A_147 : vector<16xi32>
          %mul3A_149 = arith.constant 8 : i32
          %mul3A_150 = arith.muli %scan3A_116, %mul3A_149 : i32
          %add3A_151 = arith.constant 2 : i32
          %add3A_152 = arith.addi %mul3A_150, %add3A_151 : i32
          %mul3A_153 = arith.constant 16 : i32
          %mul3A_154 = arith.muli %add3A_152, %mul3A_153 : i32
          %get3A_155 = arith.index_cast %mul3A_154 : i32 to index
          %get3A_156 = tpu.vector_load %arg5[%get3A_155] {strides = array<i32>} : memref<2048xf32, #tpu.memory_space<vmem>>, vector<16xf32>,
          %bitcast3A_157 = vector.bitcast %get3A_156 : vector<16xf32> to vector<16xi32>
          %le3A_158 = arith.cmpi sle, %bitcast3A_157, %broadcast_in_dim3A_99 : vector<16xi32>
          %jit3A_159 = arith.constant 1 : i32
          %jit3A_160 = arith.constant 0 : i32
          %broadcast_in_dim3A_161 = vector.broadcast %jit3A_159 : i32 to vector<16xi32>
          %broadcast_in_dim3A_162 = vector.broadcast %jit3A_160 : i32 to vector<16xi32>
          %select_n3A_163 = arith.select %le3A_158, %broadcast_in_dim3A_161, %broadcast_in_dim3A_162 : vector<16xi1>, vector<16xi32>
          %add3A_164 = arith.addi %add3A_148, %select_n3A_163 : vector<16xi32>
          %mul3A_165 = arith.constant 8 : i32
          %mul3A_166 = arith.muli %scan3A_116, %mul3A_165 : i32
          %add3A_167 = arith.constant 3 : i32
          %add3A_168 = arith.addi %mul3A_166, %add3A_167 : i32
          %mul3A_169 = arith.constant 16 : i32
          %mul3A_170 = arith.muli %add3A_168, %mul3A_169 : i32
          %get3A_171 = arith.index_cast %mul3A_170 : i32 to index
          %get3A_172 = tpu.vector_load %arg5[%get3A_171] {strides = array<i32>} : memref<2048xf32, #tpu.memory_space<vmem>>, vector<16xf32>,
          %bitcast3A_173 = vector.bitcast %get3A_172 : vector<16xf32> to vector<16xi32>
          %le3A_174 = arith.cmpi sle, %bitcast3A_173, %broadcast_in_dim3A_99 : vector<16xi32>
          %jit3A_175 = arith.constant 1 : i32
          %jit3A_176 = arith.constant 0 : i32
          %broadcast_in_dim3A_177 = vector.broadcast %jit3A_175 : i32 to vector<16xi32>
          %broadcast_in_dim3A_178 = vector.broadcast %jit3A_176 : i32 to vector<16xi32>
          %select_n3A_179 = arith.select %le3A_174, %broadcast_in_dim3A_177, %broadcast_in_dim3A_178 : vector<16xi1>, vector<16xi32>
          %add3A_180 = arith.addi %add3A_164, %select_n3A_179 : vector<16xi32>
          %mul3A_181 = arith.constant 8 : i32
          %mul3A_182 = arith.muli %scan3A_116, %mul3A_181 : i32
          %add3A_183 = arith.constant 4 : i32
          %add3A_184 = arith.addi %mul3A_182, %add3A_183 : i32
          %mul3A_185 = arith.constant 16 : i32
          %mul3A_186 = arith.muli %add3A_184, %mul3A_185 : i32
          %get3A_187 = arith.index_cast %mul3A_186 : i32 to index
          %get3A_188 = tpu.vector_load %arg5[%get3A_187] {strides = array<i32>} : memref<2048xf32, #tpu.memory_space<vmem>>, vector<16xf32>,
          %bitcast3A_189 = vector.bitcast %get3A_188 : vector<16xf32> to vector<16xi32>
          %le3A_190 = arith.cmpi sle, %bitcast3A_189, %broadcast_in_dim3A_99 : vector<16xi32>
          %jit3A_191 = arith.constant 1 : i32
          %jit3A_192 = arith.constant 0 : i32
          %broadcast_in_dim3A_193 = vector.broadcast %jit3A_191 : i32 to vector<16xi32>
          %broadcast_in_dim3A_194 = vector.broadcast %jit3A_192 : i32 to vector<16xi32>
          %select_n3A_195 = arith.select %le3A_190, %broadcast_in_dim3A_193, %broadcast_in_dim3A_194 : vector<16xi1>, vector<16xi32>
          %add3A_196 = arith.addi %add3A_180, %select_n3A_195 : vector<16xi32>
          %mul3A_197 = arith.constant 8 : i32
          %mul3A_198 = arith.muli %scan3A_116, %mul3A_197 : i32
          %add3A_199 = arith.constant 5 : i32
          %add3A_200 = arith.addi %mul3A_198, %add3A_199 : i32
          %mul3A_201 = arith.constant 16 : i32
          %mul3A_202 = arith.muli %add3A_200, %mul3A_201 : i32
          %get3A_203 = arith.index_cast %mul3A_202 : i32 to index
          %get3A_204 = tpu.vector_load %arg5[%get3A_203] {strides = array<i32>} : memref<2048xf32, #tpu.memory_space<vmem>>, vector<16xf32>,
          %bitcast3A_205 = vector.bitcast %get3A_204 : vector<16xf32> to vector<16xi32>
          %le3A_206 = arith.cmpi sle, %bitcast3A_205, %broadcast_in_dim3A_99 : vector<16xi32>
          %jit3A_207 = arith.constant 1 : i32
          %jit3A_208 = arith.constant 0 : i32
          %broadcast_in_dim3A_209 = vector.broadcast %jit3A_207 : i32 to vector<16xi32>
          %broadcast_in_dim3A_210 = vector.broadcast %jit3A_208 : i32 to vector<16xi32>
          %select_n3A_211 = arith.select %le3A_206, %broadcast_in_dim3A_209, %broadcast_in_dim3A_210 : vector<16xi1>, vector<16xi32>
          %add3A_212 = arith.addi %add3A_196, %select_n3A_211 : vector<16xi32>
          %mul3A_213 = arith.constant 8 : i32
          %mul3A_214 = arith.muli %scan3A_116, %mul3A_213 : i32
          %add3A_215 = arith.constant 6 : i32
          %add3A_216 = arith.addi %mul3A_214, %add3A_215 : i32
          %mul3A_217 = arith.constant 16 : i32
          %mul3A_218 = arith.muli %add3A_216, %mul3A_217 : i32
          %get3A_219 = arith.index_cast %mul3A_218 : i32 to index
          %get3A_220 = tpu.vector_load %arg5[%get3A_219] {strides = array<i32>} : memref<2048xf32, #tpu.memory_space<vmem>>, vector<16xf32>,
          %bitcast3A_221 = vector.bitcast %get3A_220 : vector<16xf32> to vector<16xi32>
          %le3A_222 = arith.cmpi sle, %bitcast3A_221, %broadcast_in_dim3A_99 : vector<16xi32>
          %jit3A_223 = arith.constant 1 : i32
          %jit3A_224 = arith.constant 0 : i32
          %broadcast_in_dim3A_225 = vector.broadcast %jit3A_223 : i32 to vector<16xi32>
          %broadcast_in_dim3A_226 = vector.broadcast %jit3A_224 : i32 to vector<16xi32>
          %select_n3A_227 = arith.select %le3A_222, %broadcast_in_dim3A_225, %broadcast_in_dim3A_226 : vector<16xi1>, vector<16xi32>
          %add3A_228 = arith.addi %add3A_212, %select_n3A_227 : vector<16xi32>
          %mul3A_229 = arith.constant 8 : i32
          %mul3A_230 = arith.muli %scan3A_116, %mul3A_229 : i32
          %add3A_231 = arith.constant 7 : i32
          %add3A_232 = arith.addi %mul3A_230, %add3A_231 : i32
          %mul3A_233 = arith.constant 16 : i32
          %mul3A_234 = arith.muli %add3A_232, %mul3A_233 : i32
          %get3A_235 = arith.index_cast %mul3A_234 : i32 to index
          %get3A_236 = tpu.vector_load %arg5[%get3A_235] {strides = array<i32>} : memref<2048xf32, #tpu.memory_space<vmem>>, vector<16xf32>,
          %bitcast3A_237 = vector.bitcast %get3A_236 : vector<16xf32> to vector<16xi32>
          %le3A_238 = arith.cmpi sle, %bitcast3A_237, %broadcast_in_dim3A_99 : vector<16xi32>
          %jit3A_239 = arith.constant 1 : i32
          %jit3A_240 = arith.constant 0 : i32
          %broadcast_in_dim3A_241 = vector.broadcast %jit3A_239 : i32 to vector<16xi32>
          %broadcast_in_dim3A_242 = vector.broadcast %jit3A_240 : i32 to vector<16xi32>
          %select_n3A_243 = arith.select %le3A_238, %broadcast_in_dim3A_241, %broadcast_in_dim3A_242 : vector<16xi1>, vector<16xi32>
          %add3A_244 = arith.addi %add3A_228, %select_n3A_243 : vector<16xi32>
          scf.yield %add3A_244 : vector<16xi32>
        }
        %scan3A_107 = arith.constant 16 : i32
        %reduce_sum3A_108 = arith.constant true
        %reduce_sum3A_109 = vector.broadcast %reduce_sum3A_108 : i1 to vector<16xi1>
        %reduce_sum3A_110 = tpu.scan <sum>, %scan3A_106 masked %reduce_sum3A_109 : vector<16xi32>, vector<16xi1> -> vector<16xi32>
        %reduce_sum3A_111 = vector.extract %reduce_sum3A_110[15] : i32 from vector<16xi32>
        %ge3A = arith.cmpi sge, %reduce_sum3A_111, %reduce_sum3A_40 : i32
        %add3A_112 = arith.constant 1 : i32
        %add3A_113 = arith.addi %add3A_98, %add3A_112 : i32
        %select_n3A_114 = arith.select %ge3A, %while3A_94, %add3A_113 : i32
        %select_n3A_115 = arith.select %ge3A, %add3A_98, %while3A_95 : i32
        scf.yield %select_n3A_114, %select_n3A_115 : i32, i32
      }
      %broadcast_in_dim3A_64 = vector.broadcast %while3A#0 : i32 to vector<16xi32>
      %broadcast_in_dim3A_65 = arith.constant 0.000000e+00 : f32
      %broadcast_in_dim3A_66 = vector.broadcast %broadcast_in_dim3A_65 : f32 to vector<16xf32>
      %broadcast_in_dim3A_67 = arith.constant 0 : i32
      %broadcast_in_dim3A_68 = vector.broadcast %broadcast_in_dim3A_67 : i32 to vector<16xi32>
      %scan3A_69 = arith.constant 0 : i32
      %scan3A_70 = arith.constant 16 : i32
      %scan3A_71 = arith.addi %scan3A_69, %scan3A_70 : i32
      %scan3A_72 = arith.constant 1 : i32
      %scan3A_73:2 = scf.for %scan3A_94 = %scan3A_69 to %scan3A_71 step %scan3A_72 iter_args(%scan3A_95 = %broadcast_in_dim3A_66, %scan3A_96 = %broadcast_in_dim3A_68) -> (vector<16xf32>, vector<16xi32>)  : i32 {
        %mul3A_97 = arith.constant 8 : i32
        %mul3A_98 = arith.muli %scan3A_94, %mul3A_97 : i32
        %add3A_99 = arith.constant 0 : i32
        %add3A_100 = arith.addi %mul3A_98, %add3A_99 : i32
        %mul3A_101 = arith.constant 16 : i32
        %mul3A_102 = arith.muli %add3A_100, %mul3A_101 : i32
        %get3A_103 = arith.index_cast %mul3A_102 : i32 to index
        %get3A_104 = tpu.vector_load %arg5[%get3A_103] {strides = array<i32>} : memref<2048xf32, #tpu.memory_space<vmem>>, vector<16xf32>,
        %bitcast3A_105 = vector.bitcast %get3A_104 : vector<16xf32> to vector<16xi32>
        %lt3A_106 = arith.cmpi slt, %bitcast3A_105, %broadcast_in_dim3A_64 : vector<16xi32>
        %jit3A_107 = arith.constant 0.000000e+00 : f32
        %broadcast_in_dim3A_108 = vector.broadcast %jit3A_107 : f32 to vector<16xf32>
        %select_n3A_109 = arith.select %lt3A_106, %get3A_104, %broadcast_in_dim3A_108 : vector<16xi1>, vector<16xf32>
        %add3A_110 = arith.addf %scan3A_95, %select_n3A_109 : vector<16xf32>
        %jit3A_111 = arith.constant 1 : i32
        %jit3A_112 = arith.constant 0 : i32
        %broadcast_in_dim3A_113 = vector.broadcast %jit3A_111 : i32 to vector<16xi32>
        %broadcast_in_dim3A_114 = vector.broadcast %jit3A_112 : i32 to vector<16xi32>
        %select_n3A_115 = arith.select %lt3A_106, %broadcast_in_dim3A_113, %broadcast_in_dim3A_114 : vector<16xi1>, vector<16xi32>
        %add3A_116 = arith.addi %scan3A_96, %select_n3A_115 : vector<16xi32>
        %mul3A_117 = arith.constant 8 : i32
        %mul3A_118 = arith.muli %scan3A_94, %mul3A_117 : i32
        %add3A_119 = arith.constant 1 : i32
        %add3A_120 = arith.addi %mul3A_118, %add3A_119 : i32
        %mul3A_121 = arith.constant 16 : i32
        %mul3A_122 = arith.muli %add3A_120, %mul3A_121 : i32
        %get3A_123 = arith.index_cast %mul3A_122 : i32 to index
        %get3A_124 = tpu.vector_load %arg5[%get3A_123] {strides = array<i32>} : memref<2048xf32, #tpu.memory_space<vmem>>, vector<16xf32>,
        %bitcast3A_125 = vector.bitcast %get3A_124 : vector<16xf32> to vector<16xi32>
        %lt3A_126 = arith.cmpi slt, %bitcast3A_125, %broadcast_in_dim3A_64 : vector<16xi32>
        %jit3A_127 = arith.constant 0.000000e+00 : f32
        %broadcast_in_dim3A_128 = vector.broadcast %jit3A_127 : f32 to vector<16xf32>
        %select_n3A_129 = arith.select %lt3A_126, %get3A_124, %broadcast_in_dim3A_128 : vector<16xi1>, vector<16xf32>
        %add3A_130 = arith.addf %add3A_110, %select_n3A_129 : vector<16xf32>
        %jit3A_131 = arith.constant 1 : i32
        %jit3A_132 = arith.constant 0 : i32
        %broadcast_in_dim3A_133 = vector.broadcast %jit3A_131 : i32 to vector<16xi32>
        %broadcast_in_dim3A_134 = vector.broadcast %jit3A_132 : i32 to vector<16xi32>
        %select_n3A_135 = arith.select %lt3A_126, %broadcast_in_dim3A_133, %broadcast_in_dim3A_134 : vector<16xi1>, vector<16xi32>
        %add3A_136 = arith.addi %add3A_116, %select_n3A_135 : vector<16xi32>
        %mul3A_137 = arith.constant 8 : i32
        %mul3A_138 = arith.muli %scan3A_94, %mul3A_137 : i32
        %add3A_139 = arith.constant 2 : i32
        %add3A_140 = arith.addi %mul3A_138, %add3A_139 : i32
        %mul3A_141 = arith.constant 16 : i32
        %mul3A_142 = arith.muli %add3A_140, %mul3A_141 : i32
        %get3A_143 = arith.index_cast %mul3A_142 : i32 to index
        %get3A_144 = tpu.vector_load %arg5[%get3A_143] {strides = array<i32>} : memref<2048xf32, #tpu.memory_space<vmem>>, vector<16xf32>,
        %bitcast3A_145 = vector.bitcast %get3A_144 : vector<16xf32> to vector<16xi32>
        %lt3A_146 = arith.cmpi slt, %bitcast3A_145, %broadcast_in_dim3A_64 : vector<16xi32>
        %jit3A_147 = arith.constant 0.000000e+00 : f32
        %broadcast_in_dim3A_148 = vector.broadcast %jit3A_147 : f32 to vector<16xf32>
        %select_n3A_149 = arith.select %lt3A_146, %get3A_144, %broadcast_in_dim3A_148 : vector<16xi1>, vector<16xf32>
        %add3A_150 = arith.addf %add3A_130, %select_n3A_149 : vector<16xf32>
        %jit3A_151 = arith.constant 1 : i32
        %jit3A_152 = arith.constant 0 : i32
        %broadcast_in_dim3A_153 = vector.broadcast %jit3A_151 : i32 to vector<16xi32>
        %broadcast_in_dim3A_154 = vector.broadcast %jit3A_152 : i32 to vector<16xi32>
        %select_n3A_155 = arith.select %lt3A_146, %broadcast_in_dim3A_153, %broadcast_in_dim3A_154 : vector<16xi1>, vector<16xi32>
        %add3A_156 = arith.addi %add3A_136, %select_n3A_155 : vector<16xi32>
        %mul3A_157 = arith.constant 8 : i32
        %mul3A_158 = arith.muli %scan3A_94, %mul3A_157 : i32
        %add3A_159 = arith.constant 3 : i32
        %add3A_160 = arith.addi %mul3A_158, %add3A_159 : i32
        %mul3A_161 = arith.constant 16 : i32
        %mul3A_162 = arith.muli %add3A_160, %mul3A_161 : i32
        %get3A_163 = arith.index_cast %mul3A_162 : i32 to index
        %get3A_164 = tpu.vector_load %arg5[%get3A_163] {strides = array<i32>} : memref<2048xf32, #tpu.memory_space<vmem>>, vector<16xf32>,
        %bitcast3A_165 = vector.bitcast %get3A_164 : vector<16xf32> to vector<16xi32>
        %lt3A_166 = arith.cmpi slt, %bitcast3A_165, %broadcast_in_dim3A_64 : vector<16xi32>
        %jit3A_167 = arith.constant 0.000000e+00 : f32
        %broadcast_in_dim3A_168 = vector.broadcast %jit3A_167 : f32 to vector<16xf32>
        %select_n3A_169 = arith.select %lt3A_166, %get3A_164, %broadcast_in_dim3A_168 : vector<16xi1>, vector<16xf32>
        %add3A_170 = arith.addf %add3A_150, %select_n3A_169 : vector<16xf32>
        %jit3A_171 = arith.constant 1 : i32
        %jit3A_172 = arith.constant 0 : i32
        %broadcast_in_dim3A_173 = vector.broadcast %jit3A_171 : i32 to vector<16xi32>
        %broadcast_in_dim3A_174 = vector.broadcast %jit3A_172 : i32 to vector<16xi32>
        %select_n3A_175 = arith.select %lt3A_166, %broadcast_in_dim3A_173, %broadcast_in_dim3A_174 : vector<16xi1>, vector<16xi32>
        %add3A_176 = arith.addi %add3A_156, %select_n3A_175 : vector<16xi32>
        %mul3A_177 = arith.constant 8 : i32
        %mul3A_178 = arith.muli %scan3A_94, %mul3A_177 : i32
        %add3A_179 = arith.constant 4 : i32
        %add3A_180 = arith.addi %mul3A_178, %add3A_179 : i32
        %mul3A_181 = arith.constant 16 : i32
        %mul3A_182 = arith.muli %add3A_180, %mul3A_181 : i32
        %get3A_183 = arith.index_cast %mul3A_182 : i32 to index
        %get3A_184 = tpu.vector_load %arg5[%get3A_183] {strides = array<i32>} : memref<2048xf32, #tpu.memory_space<vmem>>, vector<16xf32>,
        %bitcast3A_185 = vector.bitcast %get3A_184 : vector<16xf32> to vector<16xi32>
        %lt3A_186 = arith.cmpi slt, %bitcast3A_185, %broadcast_in_dim3A_64 : vector<16xi32>
        %jit3A_187 = arith.constant 0.000000e+00 : f32
        %broadcast_in_dim3A_188 = vector.broadcast %jit3A_187 : f32 to vector<16xf32>
        %select_n3A_189 = arith.select %lt3A_186, %get3A_184, %broadcast_in_dim3A_188 : vector<16xi1>, vector<16xf32>
        %add3A_190 = arith.addf %add3A_170, %select_n3A_189 : vector<16xf32>
        %jit3A_191 = arith.constant 1 : i32
        %jit3A_192 = arith.constant 0 : i32
        %broadcast_in_dim3A_193 = vector.broadcast %jit3A_191 : i32 to vector<16xi32>
        %broadcast_in_dim3A_194 = vector.broadcast %jit3A_192 : i32 to vector<16xi32>
        %select_n3A_195 = arith.select %lt3A_186, %broadcast_in_dim3A_193, %broadcast_in_dim3A_194 : vector<16xi1>, vector<16xi32>
        %add3A_196 = arith.addi %add3A_176, %select_n3A_195 : vector<16xi32>
        %mul3A_197 = arith.constant 8 : i32
        %mul3A_198 = arith.muli %scan3A_94, %mul3A_197 : i32
        %add3A_199 = arith.constant 5 : i32
        %add3A_200 = arith.addi %mul3A_198, %add3A_199 : i32
        %mul3A_201 = arith.constant 16 : i32
        %mul3A_202 = arith.muli %add3A_200, %mul3A_201 : i32
        %get3A_203 = arith.index_cast %mul3A_202 : i32 to index
        %get3A_204 = tpu.vector_load %arg5[%get3A_203] {strides = array<i32>} : memref<2048xf32, #tpu.memory_space<vmem>>, vector<16xf32>,
        %bitcast3A_205 = vector.bitcast %get3A_204 : vector<16xf32> to vector<16xi32>
        %lt3A_206 = arith.cmpi slt, %bitcast3A_205, %broadcast_in_dim3A_64 : vector<16xi32>
        %jit3A_207 = arith.constant 0.000000e+00 : f32
        %broadcast_in_dim3A_208 = vector.broadcast %jit3A_207 : f32 to vector<16xf32>
        %select_n3A_209 = arith.select %lt3A_206, %get3A_204, %broadcast_in_dim3A_208 : vector<16xi1>, vector<16xf32>
        %add3A_210 = arith.addf %add3A_190, %select_n3A_209 : vector<16xf32>
        %jit3A_211 = arith.constant 1 : i32
        %jit3A_212 = arith.constant 0 : i32
        %broadcast_in_dim3A_213 = vector.broadcast %jit3A_211 : i32 to vector<16xi32>
        %broadcast_in_dim3A_214 = vector.broadcast %jit3A_212 : i32 to vector<16xi32>
        %select_n3A_215 = arith.select %lt3A_206, %broadcast_in_dim3A_213, %broadcast_in_dim3A_214 : vector<16xi1>, vector<16xi32>
        %add3A_216 = arith.addi %add3A_196, %select_n3A_215 : vector<16xi32>
        %mul3A_217 = arith.constant 8 : i32
        %mul3A_218 = arith.muli %scan3A_94, %mul3A_217 : i32
        %add3A_219 = arith.constant 6 : i32
        %add3A_220 = arith.addi %mul3A_218, %add3A_219 : i32
        %mul3A_221 = arith.constant 16 : i32
        %mul3A_222 = arith.muli %add3A_220, %mul3A_221 : i32
        %get3A_223 = arith.index_cast %mul3A_222 : i32 to index
        %get3A_224 = tpu.vector_load %arg5[%get3A_223] {strides = array<i32>} : memref<2048xf32, #tpu.memory_space<vmem>>, vector<16xf32>,
        %bitcast3A_225 = vector.bitcast %get3A_224 : vector<16xf32> to vector<16xi32>
        %lt3A_226 = arith.cmpi slt, %bitcast3A_225, %broadcast_in_dim3A_64 : vector<16xi32>
        %jit3A_227 = arith.constant 0.000000e+00 : f32
        %broadcast_in_dim3A_228 = vector.broadcast %jit3A_227 : f32 to vector<16xf32>
        %select_n3A_229 = arith.select %lt3A_226, %get3A_224, %broadcast_in_dim3A_228 : vector<16xi1>, vector<16xf32>
        %add3A_230 = arith.addf %add3A_210, %select_n3A_229 : vector<16xf32>
        %jit3A_231 = arith.constant 1 : i32
        %jit3A_232 = arith.constant 0 : i32
        %broadcast_in_dim3A_233 = vector.broadcast %jit3A_231 : i32 to vector<16xi32>
        %broadcast_in_dim3A_234 = vector.broadcast %jit3A_232 : i32 to vector<16xi32>
        %select_n3A_235 = arith.select %lt3A_226, %broadcast_in_dim3A_233, %broadcast_in_dim3A_234 : vector<16xi1>, vector<16xi32>
        %add3A_236 = arith.addi %add3A_216, %select_n3A_235 : vector<16xi32>
        %mul3A_237 = arith.constant 8 : i32
        %mul3A_238 = arith.muli %scan3A_94, %mul3A_237 : i32
        %add3A_239 = arith.constant 7 : i32
        %add3A_240 = arith.addi %mul3A_238, %add3A_239 : i32
        %mul3A_241 = arith.constant 16 : i32
        %mul3A_242 = arith.muli %add3A_240, %mul3A_241 : i32
        %get3A_243 = arith.index_cast %mul3A_242 : i32 to index
        %get3A_244 = tpu.vector_load %arg5[%get3A_243] {strides = array<i32>} : memref<2048xf32, #tpu.memory_space<vmem>>, vector<16xf32>,
        %bitcast3A_245 = vector.bitcast %get3A_244 : vector<16xf32> to vector<16xi32>
        %lt3A_246 = arith.cmpi slt, %bitcast3A_245, %broadcast_in_dim3A_64 : vector<16xi32>
        %jit3A_247 = arith.constant 0.000000e+00 : f32
        %broadcast_in_dim3A_248 = vector.broadcast %jit3A_247 : f32 to vector<16xf32>
        %select_n3A_249 = arith.select %lt3A_246, %get3A_244, %broadcast_in_dim3A_248 : vector<16xi1>, vector<16xf32>
        %add3A_250 = arith.addf %add3A_230, %select_n3A_249 : vector<16xf32>
        %jit3A_251 = arith.constant 1 : i32
        %jit3A_252 = arith.constant 0 : i32
        %broadcast_in_dim3A_253 = vector.broadcast %jit3A_251 : i32 to vector<16xi32>
        %broadcast_in_dim3A_254 = vector.broadcast %jit3A_252 : i32 to vector<16xi32>
        %select_n3A_255 = arith.select %lt3A_246, %broadcast_in_dim3A_253, %broadcast_in_dim3A_254 : vector<16xi1>, vector<16xi32>
        %add3A_256 = arith.addi %add3A_236, %select_n3A_255 : vector<16xi32>
        scf.yield %add3A_250, %add3A_256 : vector<16xf32>, vector<16xi32>
      }
      %scan3A_74 = arith.constant 16 : i32
      %reduce_sum3A_75 = arith.constant true
      %reduce_sum3A_76 = vector.broadcast %reduce_sum3A_75 : i1 to vector<16xi1>
      %reduce_sum3A_77 = tpu.scan <sum>, %scan3A_73#0 masked %reduce_sum3A_76 : vector<16xf32>, vector<16xi1> -> vector<16xf32>
      %reduce_sum3A_78 = vector.extract %reduce_sum3A_77[15] : f32 from vector<16xf32>
      %reduce_sum3A_79 = arith.constant true
      %reduce_sum3A_80 = vector.broadcast %reduce_sum3A_79 : i1 to vector<16xi1>
      %reduce_sum3A_81 = tpu.scan <sum>, %scan3A_73#1 masked %reduce_sum3A_80 : vector<16xi32>, vector<16xi1> -> vector<16xi32>
      %reduce_sum3A_82 = vector.extract %reduce_sum3A_81[15] : i32 from vector<16xi32>
      %sub3A = arith.subi %reduce_sum3A_40, %reduce_sum3A_82 : i32
      %broadcast_in_dim3A_83 = vector.broadcast %sub3A : i32 to vector<16xi32>
      %broadcast_in_dim3A_84 = vector.broadcast %reduce_sum3A_78 : f32 to vector<16xf32>
      %convert_element_type3A_85 = arith.sitofp %broadcast_in_dim3A_83 : vector<16xi32> to vector<16xf32>
      %bitcast3A = vector.bitcast %broadcast_in_dim3A_64 : vector<16xi32> to vector<16xf32>
      %mul3A = arith.mulf %convert_element_type3A_85, %bitcast3A : vector<16xf32>
      %add3A_86 = arith.addf %broadcast_in_dim3A_84, %mul3A : vector<16xf32>
      %mul3A_87 = arith.mulf %get3A_25, %add3A_86 : vector<16xf32>
      %jit3A_88 = arith.constant 0.000000e+00 : f32
      %broadcast_in_dim3A_89 = vector.broadcast %jit3A_88 : f32 to vector<16xf32>
      %select_n3A_90 = arith.select %eq3A_22, %mul3A_87, %broadcast_in_dim3A_89 : vector<16xi1>, vector<16xf32>
      %swap3A = arith.constant 0 : index
      %swap3A_91 = tpu.vector_load %arg9[%swap3A] {strides = array<i32>} : memref<16xf32, #tpu.memory_space<vmem>>, vector<16xf32>,
      tpu.vector_store %arg9[%swap3A], %select_n3A_90 {strides = array<i32>} : memref<16xf32, #tpu.memory_space<vmem>>, vector<16xf32>,
      %mul3A_92 = arith.constant 16 : i32
      %mul3A_93 = arith.muli %arg1, %mul3A_92 : i32
      "tpu.region"() ({
        %run_scoped3A = tpu.sem_alloc : memref<!tpu.dma_semaphore, #tpu.memory_space<semaphore_mem>>
        %dma_start3A_94 = tpu.memref_slice %arg12[%mul3A_93] : memref<128xf32, #tpu.memory_space<vmem_shared>> -> memref<16xf32, #tpu.memory_space<vmem_shared>>
        %dma_start3A_95 = tpu.memref_slice %arg12[%mul3A_93] : memref<128xf32, #tpu.memory_space<vmem_shared>> -> memref<16xf32, #tpu.memory_space<vmem_shared>>
        tpu.enqueue_dma source(%arg9 : memref<16xf32, #tpu.memory_space<vmem>>) target(%dma_start3A_95 : memref<16xf32, #tpu.memory_space<vmem_shared>>) target_semaphore(%run_scoped3A : memref<!tpu.dma_semaphore, #tpu.memory_space<semaphore_mem>>)
        %dma_wait3A_96 = tpu.memref_slice %arg12[%mul3A_93] : memref<128xf32, #tpu.memory_space<vmem_shared>> -> memref<16xf32, #tpu.memory_space<vmem_shared>>
        %dma_wait3A_97 = tpu.memref_slice %arg12[%mul3A_93] : memref<128xf32, #tpu.memory_space<vmem_shared>> -> memref<16xf32, #tpu.memory_space<vmem_shared>>
        tpu.wait_dma2 semaphore(%run_scoped3A : memref<!tpu.dma_semaphore, #tpu.memory_space<semaphore_mem>>) src(%arg9 : memref<16xf32, #tpu.memory_space<vmem>>) dst(%dma_wait3A_97 : memref<16xf32, #tpu.memory_space<vmem_shared>>)
        tpu.yield
      }) : () -> ()
    } else {
    }
    %barrier3A = arith.constant 0 : index
    tpu.barrier barrier_id(%barrier3A)
    %eq3A_3 = arith.constant 0 : i32
    %eq3A_4 = arith.cmpi eq, %arg0, %eq3A_3 : i32
    %eq3A_5 = arith.constant 0 : i32
    %eq3A_6 = arith.cmpi eq, %arg1, %eq3A_5 : i32
    %and3A_7 = arith.andi %eq3A_4, %eq3A_6 : i1
    %convert_element_type3A_8 = arith.extui %and3A_7 : i1 to i32
    %cond3A_9 = arith.constant 0 : i32
    %cond3A_10 = arith.cmpi ne, %convert_element_type3A_8, %cond3A_9 : i32
    scf.if %cond3A_10 {
      "tpu.region"() ({
        %run_scoped3A = tpu.sem_alloc : memref<!tpu.dma_semaphore, #tpu.memory_space<semaphore_mem>>
        tpu.enqueue_dma source(%arg12 : memref<128xf32, #tpu.memory_space<vmem_shared>>) target(%arg10 : memref<128xf32, #tpu.memory_space<vmem>>) target_semaphore(%run_scoped3A : memref<!tpu.dma_semaphore, #tpu.memory_space<semaphore_mem>>)
        tpu.wait_dma2 semaphore(%run_scoped3A : memref<!tpu.dma_semaphore, #tpu.memory_space<semaphore_mem>>) src(%arg12 : memref<128xf32, #tpu.memory_space<vmem_shared>>) dst(%arg10 : memref<128xf32, #tpu.memory_space<vmem>>)
        tpu.yield
      }) : () -> ()
      %broadcast_in_dim3A = arith.constant 0.000000e+00 : f32
      %broadcast_in_dim3A_11 = vector.broadcast %broadcast_in_dim3A : f32 to vector<16xf32>
      %scan3A = arith.constant 0 : i32
      %scan3A_12 = arith.constant 8 : i32
      %scan3A_13 = arith.addi %scan3A, %scan3A_12 : i32
      %scan3A_14 = arith.constant 1 : i32
      %scan3A_15 = scf.for %scan3A_22 = %scan3A to %scan3A_13 step %scan3A_14 iter_args(%scan3A_23 = %broadcast_in_dim3A_11) -> (vector<16xf32>)  : i32 {
        %mul3A = arith.constant 16 : i32
        %mul3A_24 = arith.muli %scan3A_22, %mul3A : i32
        %get3A = arith.index_cast %mul3A_24 : i32 to index
        %get3A_25 = tpu.vector_load %arg10[%get3A] {strides = array<i32>} : memref<128xf32, #tpu.memory_space<vmem>>, vector<16xf32>,
        %add3A = arith.addf %scan3A_23, %get3A_25 : vector<16xf32>
        scf.yield %add3A : vector<16xf32>
      }
      %scan3A_16 = arith.constant 8 : i32
      %reduce_sum3A = arith.constant true
      %reduce_sum3A_17 = vector.broadcast %reduce_sum3A : i1 to vector<16xi1>
      %reduce_sum3A_18 = tpu.scan <sum>, %scan3A_15 masked %reduce_sum3A_17 : vector<16xf32>, vector<16xi1> -> vector<16xf32>
      %reduce_sum3A_19 = vector.extract %reduce_sum3A_18[15] : f32 from vector<16xf32>
      %broadcast_in_dim3A_20 = vector.broadcast %reduce_sum3A_19 : f32 to vector<16xf32>
      %swap3A = arith.constant 0 : index
      %swap3A_21 = tpu.vector_load %arg11[%swap3A] {strides = array<i32>} : memref<16xf32, #tpu.memory_space<vmem>>, vector<16xf32>,
      tpu.vector_store %arg11[%swap3A], %broadcast_in_dim3A_20 {strides = array<i32>} : memref<16xf32, #tpu.memory_space<vmem>>, vector<16xf32>,
      "tpu.region"() ({
        %run_scoped3A = tpu.sem_alloc : memref<!tpu.dma_semaphore, #tpu.memory_space<semaphore_mem>>
        tpu.enqueue_dma source(%arg11 : memref<16xf32, #tpu.memory_space<vmem>>) target(%arg4 : memref<16xf32, #tpu.memory_space<hbm>>) target_semaphore(%run_scoped3A : memref<!tpu.dma_semaphore, #tpu.memory_space<semaphore_mem>>)
        tpu.wait_dma2 semaphore(%run_scoped3A : memref<!tpu.dma_semaphore, #tpu.memory_space<semaphore_mem>>) src(%arg11 : memref<16xf32, #tpu.memory_space<vmem>>) dst(%arg4 : memref<16xf32, #tpu.memory_space<hbm>>)
        tpu.yield
      }) : () -> ()
    } else {
    }
    return
  }
}

module attributes {stable_mosaic.version = 14 : i64} {
  func.func @_scores_body(%arg0: i32, %arg1: i32, %arg2: memref<1x1024x2048xf32, #tpu.memory_space<vmem>>, %arg3: memref<1x1x2048xf32, #tpu.memory_space<vmem>>) attributes {dimension_semantics = [#tpu.dimension_semantics<arbitrary>, #tpu.dimension_semantics<arbitrary>], iteration_bounds = array<i64: 8, 2>, scalar_prefetch = 0 : i64, scratch_operands = 0 : i64, tpu.core_type = #tpu.core_type<tc>, window_params = [{transform_indices = @transform_0, window_bounds = array<i64: 1, 1024, 2048>}, {transform_indices = @transform_1, window_bounds = array<i64: 1, 1, 2048>}]} {
    %eq3A = arith.constant 0 : i32
    %eq3A_0 = arith.cmpi eq, %arg1, %eq3A : i32
    %convert_element_type3A = arith.extui %eq3A_0 : i1 to i32
    %cond3A = arith.constant 0 : i32
    %cond3A_1 = arith.cmpi ne, %convert_element_type3A, %cond3A : i32
    scf.if %cond3A_1 {
      %broadcast_in_dim3A_14 = arith.constant 0.000000e+00 : f32
      %broadcast_in_dim3A_15 = vector.broadcast %broadcast_in_dim3A_14 : f32 to vector<1x1x2048xf32>
      %swap3A_16 = arith.constant 0 : index
      %swap3A_17 = arith.constant 0 : index
      %swap3A_18 = arith.constant 0 : index
      %swap3A_19 = vector.load %arg3[%swap3A_16, %swap3A_17, %swap3A_18] : memref<1x1x2048xf32, #tpu.memory_space<vmem>>, vector<1x1x2048xf32>
      tpu.vector_store %arg3[%swap3A_16, %swap3A_17, %swap3A_18], %broadcast_in_dim3A_15 {strides = array<i32>} : memref<1x1x2048xf32, #tpu.memory_space<vmem>>, vector<1x1x2048xf32>,
    } else {
    }
    %get3A = arith.constant 0 : index
    %get3A_2 = arith.constant 0 : index
    %get3A_3 = arith.constant 0 : index
    %get3A_4 = vector.load %arg2[%get3A, %get3A_2, %get3A_3] : memref<1x1024x2048xf32, #tpu.memory_space<vmem>>, vector<1x1024x2048xf32>
    %get3A_5 = vector.shape_cast %get3A_4 : vector<1x1024x2048xf32> to vector<1024x2048xf32>
    %get3A_6 = arith.constant 0 : index
    %get3A_7 = arith.constant 0 : index
    %get3A_8 = arith.constant 0 : index
    %get3A_9 = vector.load %arg3[%get3A_6, %get3A_7, %get3A_8] : memref<1x1x2048xf32, #tpu.memory_space<vmem>>, vector<1x1x2048xf32>
    %mul3A = arith.mulf %get3A_5, %get3A_5 : vector<1024x2048xf32>
    %reduce_sum3A = arith.constant dense<0.000000e+00> : vector<2048xf32>
    %reduce_sum3A_10 = vector.multi_reduction <add>, %mul3A, %reduce_sum3A [0] : vector<1024x2048xf32> to vector<2048xf32>
    %broadcast_in_dim3A = vector.shape_cast %reduce_sum3A_10 : vector<2048xf32> to vector<1x1x2048xf32>
    %add3A = arith.addf %get3A_9, %broadcast_in_dim3A : vector<1x1x2048xf32>
    %swap3A = arith.constant 0 : index
    %swap3A_11 = arith.constant 0 : index
    %swap3A_12 = arith.constant 0 : index
    %swap3A_13 = vector.load %arg3[%swap3A, %swap3A_11, %swap3A_12] : memref<1x1x2048xf32, #tpu.memory_space<vmem>>, vector<1x1x2048xf32>
    tpu.vector_store %arg3[%swap3A, %swap3A_11, %swap3A_12], %add3A {strides = array<i32>} : memref<1x1x2048xf32, #tpu.memory_space<vmem>>, vector<1x1x2048xf32>,
    return
  }
  func.func @transform_0(%arg0: i32, %arg1: i32) -> (i32, i32, i32) {
    %c0_i32 = arith.constant 0 : i32
    %c0_i32_0 = arith.constant 0 : i32
    return %arg0, %arg1, %c0_i32 : i32, i32, i32
  }
  func.func @transform_1(%arg0: i32, %arg1: i32) -> (i32, i32, i32) {
    %c0_i32 = arith.constant 0 : i32
    %c0_i32_0 = arith.constant 0 : i32
    %c0_i32_1 = arith.constant 0 : i32
    return %arg0, %c0_i32, %c0_i32_0 : i32, i32, i32
  }
}

</mosaic_0001>

<sc_bundles>
// kernel: kernel.4.cloned.1.call-start
scs
__scs_entry_jumppad:
0x0: {  	(pc) =	sbr.rel $0x88, $3  }
0x1: {  	(tag) =	ssettag $0x0;
	lr =	simm.s32 $0x1  }
0x2: {  	[smem:$0x3F9E] =	sst lr;
	_ =	strace $0xD0000000  }
0x3: {  	_ = 	snop  }
0x4: {  	_ = 	snop  }
0x5: {  	_ = 	snop  }
0x6: {  	_ = 	snop  }
0x7: {  	_ = 	snop  }
__scs_overlays_trampoline_lowered:
0x8: {  	[smem:$0x3FAD] =	sst s0  }
0x9: {  	[smem:$0x3FAE] =	sst s1  }
0xa: {  	[smem:$0x3FAF] =	sst s2  }
0xb: {  	[smem:$0x3FB0] =	sst s3  }
0xc: {  	[smem:$0x3FB1] =	sst s4  }
0xd: {  	[smem:$0x3FB2] =	sst s5  }
0xe: {  	[smem:$0x3FB3] =	sst s6  }
0xf: {  	[smem:$0x3FB4] =	sst s7  }
0x10: {  	[smem:$0x3FB5] =	sst s8  }
0x11: {  	[smem:$0x3FB6] =	sst s9;
	s0 =	simm.s32 @!p0 $0x0  }
0x12: {  	s1 =	sld [smem:$0x3F9C];
	s0 =	simm.s32 @p0 $0x1  }
0x13: {  	[smem:$0x3FB7] =	sst s0;
	s0 =	simm.s32 @!p1 $0x0  }
0x14: {  	s2 =	sld [smem:$0x3F9B];
	s0 =	simm.s32 @p1 $0x1  }
0x15: {  	[smem:$0x3FB8] =	sst s0;
	s0 =	simm.s32 @!p2 $0x0  }
0x16: {  	s3 =	sld [smem:$0x3FDB];
	s0 =	simm.s32 @p2 $0x1  }
0x17: {  	s4 =	simm.s32 $0x1BF5;
	[smem:$0x3FBA] =	sst s0  }
0x18: {  	s0 =	sld [smem:$0x3F9D];
	_ =	swait.ge [sflag:s4], $0x0  }
0x19: {  	s7 =	sld [smem:$0x3F9E]  }
0x1a: {  	s8 =	sadd.s32 $0xFFFFE003, lr  }
0x1b: {  	s9 =	sadd.s32 $0xFFFFFEF7, lr;
	s5 =	simm.s32 $0xFFFFFFFF;
	p2 =	slt.u32 s8, $0xFFFFF086  }
0x1c: {  	p1 =	slt.u32 s9, $0xF7A;
	s5 =	simm.s32 @!p2 $0x0  }
0x1d: {  	s5 =	simm.s32 @p1 $0x1;
	p0 =	seq.s32 s7, s2  }
0x1e: {  	s7 =	smul.u32 @!p0 $0xF7A, s2;
	p2 =	seq.s32 @!p0 s5, $0x0  }
0x1f: {  	s9 =	smul.u32 $0xF7A, s1;
	s8 =	simm.s32 @!p0 $0x1BF5;
	p2 =	por !p2, p0  }
0x20: {  	[sflag:s8] =	ssyncset.s32 @!p0 $0xFFFFF086;
	s6 =	sadd.s32 @!p0 s3, s7;
	s7 =	simm.s32 @!p0 $0x108  }
0x21: {  	s3 =	sadd.s32 s3, s9;
	s6 =	sadd.s32 @!p0 $0x88, s6;
	s7 =	simm.s32 @p2 $0x1082  }
0x22: {  	[simem:s7], [sflag:s8] =	dma.local @!p0 [hbm:s6], $0xF7A  }
0x23: {  	s9 =	sor.u32 $0xD0000000, s2;
	s6 =	simm.s32 $0x108;
	_ =	swait.ge @!p0 [sflag:s8], $0x0  }
0x24: {  	s3 =	sadd.s32 $0x88, s3;
	s6 =	simm.s32 @!p1 $0x1082;
	[sflag:s4] =	ssyncset.s32 $0xFFFFF086  }
0x25: {  	[simem:s6], [sflag:s4] =	dma.local [hbm:s3], $0xF7A  }
0x26: {  	[smem:$0x3F9E] =	sst s1;
	(tag) =	ssettag s2;
	_ =	strace s9  }
0x27: {  	s1 =	sld [smem:$0x3FAE]  }
0x28: {  	s2 =	sld [smem:$0x3FAF]  }
0x29: {  	s4 =	sld [smem:$0x3FB1]  }
0x2a: {  	p0 =	seq.s32 s5, $0x0;
	s5 =	sld [smem:$0x3FB2]  }
0x2b: {  	s6 =	sld [smem:$0x3FB3]  }
0x2c: {  	s7 =	sld [smem:$0x3FB4]  }
0x2d: {  	s3 =	simm.s32 $0x108;
	s8 =	sld [smem:$0x3FB5]  }
0x2e: {  	s3 =	simm.s32 @!p0 $0x1082;
	s9 =	sld [smem:$0x3FB6]  }
0x2f: {  	lr =	sadd.s32 s0, s3;
	s0 =	sld [smem:$0x3FAD]  }
0x30: {  	s3 =	sld [smem:$0x3FB0]  }
0x31: {  	[smem:$0x3FB9] =	sst s10  }
0x32: {  	s10 =	sld [smem:$0x3FB7];
	_ =	sdelay $0x3  }
0x33: {  	p0 =	seq.s32 s10, $0x1;
	s10 =	sld [smem:$0x3FB9];
	_ =	sdelay $0x3  }
0x34: {  	[smem:$0x3FB9] =	sst s10  }
0x35: {  	s10 =	sld [smem:$0x3FB8];
	_ =	sdelay $0x3  }
0x36: {  	p1 =	seq.s32 s10, $0x1;
	s10 =	sld [smem:$0x3FB9];
	_ =	sdelay $0x3  }
0x37: {  	[smem:$0x3FB9] =	sst s10  }
0x38: {  	s10 =	sld [smem:$0x3FBA]  }
0x39: {  	_ = 	snop;
	(pc) =	sbr.ind lr, $3  }
0x3a: {  	_ = 	snop  }
0x3b: {  	_ = 	snop  }
0x3c: {  	p2 =	seq.s32 s10, $0x1;
	s10 =	sld [smem:$0x3FB9]  }
0x3d: {  	_ =	shalt  }
0x3e: {  	_ =	shalt  }
0x3f: {  	_ =	shalt  }
0x40: {  	_ =	shalt  }
0x41: {  	_ =	shalt  }
0x42: {  	_ =	shalt  }
0x43: {  	_ =	shalt  }
0x44: {  	_ =	shalt  }
0x45: {  	_ =	shalt  }
0x46: {  	_ =	shalt  }
0x47: {  	_ =	shalt  }
0x48: {  	_ =	shalt  }
0x49: {  	_ =	shalt  }
0x4a: {  	_ =	shalt  }
0x4b: {  	_ =	shalt  }
0x4c: {  	_ =	shalt  }
0x4d: {  	_ =	shalt  }
0x4e: {  	_ =	shalt  }
0x4f: {  	_ =	shalt  }
0x50: {  	_ =	shalt  }
0x51: {  	_ =	shalt  }
0x52: {  	_ =	shalt  }
0x53: {  	_ =	shalt  }
0x54: {  	_ =	shalt  }
0x55: {  	_ =	shalt  }
0x56: {  	_ =	shalt  }
0x57: {  	_ =	shalt  }
0x58: {  	_ =	shalt  }
0x59: {  	_ =	shalt  }
0x5a: {  	_ =	shalt  }
0x5b: {  	_ =	shalt  }
0x5c: {  	_ =	shalt  }
0x5d: {  	_ =	shalt  }
0x5e: {  	_ =	shalt  }
0x5f: {  	_ =	shalt  }
0x60: {  	_ =	shalt  }
0x61: {  	_ =	shalt  }
0x62: {  	_ =	shalt  }
0x63: {  	_ =	shalt  }
0x64: {  	_ =	shalt  }
0x65: {  	_ =	shalt  }
0x66: {  	_ =	shalt  }
0x67: {  	_ =	shalt  }
0x68: {  	_ =	shalt  }
0x69: {  	_ =	shalt  }
0x6a: {  	_ =	shalt  }
0x6b: {  	_ =	shalt  }
0x6c: {  	_ =	shalt  }
0x6d: {  	_ =	shalt  }
0x6e: {  	_ =	shalt  }
0x6f: {  	_ =	shalt  }
0x70: {  	_ =	shalt  }
0x71: {  	_ =	shalt  }
0x72: {  	_ =	shalt  }
0x73: {  	_ =	shalt  }
0x74: {  	_ =	shalt  }
0x75: {  	_ =	shalt  }
0x76: {  	_ =	shalt  }
0x77: {  	_ =	shalt  }
0x78: {  	_ =	shalt  }
0x79: {  	_ =	shalt  }
0x7a: {  	_ =	shalt  }
0x7b: {  	_ =	shalt  }
0x7c: {  	_ =	shalt  }
0x7d: {  	_ =	shalt  }
0x7e: {  	_ =	shalt  }
0x7f: {  	_ =	shalt  }
0x80: {  	_ =	shalt  }
0x81: {  	_ =	shalt  }
0x82: {  	_ =	shalt  }
0x83: {  	_ =	shalt  }
0x84: {  	_ =	shalt  }
0x85: {  	_ =	shalt  }
0x86: {  	_ =	shalt  }
0x87: {  	_ =	shalt  }
.Lfunc_end0:
.L_simem_size_0:
called_computation_lowered:
.L_overlay_start_0:
0x88: {  	s2 =	sld [smem:$0x3FD9]  }
0x89: {  	s3 =	sld [smem:$0x3FFE];
	_ =	sdelay $0x1  }
0x8a: {  	s1 =	srdreg.scid  }
0x8b: {  	s0 =	sand.u32 $0x1, s1  }
0x8c: {  	s17 =	sshll.u32 s0, $0xA;
	s2 =	sadd.s32 s3, s2  }
0x8d: {  	s2 =	sadd.s32 s2, s17  }
0x8e: {  	[smem:$0x3FC5] =	sst s2  }
0x8f: {  	_ = 	snop  }
0x90: {  	s2 =	sld [smem:$0x3FD0];
	(tm) =	ssettm $0x1  }
0x91: {  	s18 =	sld [smem:$0x3FFB];
	_ =	sdelay $0x3  }
0x92: {  	_ =	strace s18  }
0x93: {  	s3 =	sld [smem:$0x3FFC];
	_ =	sdelay $0x3  }
0x94: {  	_ =	strace s3  }
0x95: {  	s3 =	sld [smem:$0x3FFD];
	_ =	sdelay $0x3  }
0x96: {  	_ =	strace s3  }
0x97: {  	_ =	strace $0x8FFFFFFF  }
0x98: {  	s19 =	sld [smem:$0x3FDB];
	_ =	sdelay $0x1  }
0x99: {  	s4 =	simm.s32 $_scs_section_size  }
0x9a: {  	s5 =	simm.s32 $_size__tile_overlayer_lowered;
	s6 =	simm.s32 $_tile_overlayer_lowered  }
0x9b: {  	s22 =	simm.s32 $0x1BFF;
	s21 =	sshll.u32 s6, $0x1;
	s3 =	sadd.s32 s4, s19  }
0x9c: {  	s7 =	simm.s32 $0x0;
	s20 =	sshll.u32 s5, $0x1;
	s5 =	sadd.s32 s21, s3  }
0x9d: {  	[timem:s7], [sflag:s22] =	dma.local [hbm:s5], s20  }
0x9e: {  	_ =	swait.ge [sflag:s22], s20  }
0x9f: {  	s4 =	ssub.s32 $0x0, s20;
	[sflag:s22] =	ssyncset.done $0x0  }
0xa0: {  	[sflag:s22] =	ssyncadd.s32 s4;
	_ =	sdelay $0x1  }
0xa1: {  	s23 =	simm.s32 $0x1B8B  }
0xa2: {  	_ =	swait.ge [sflag:s23], $0x1  }
0xa3: {  	[sflag:s23] =	ssyncset.done $0x0  }
0xa4: {  	s25 =	simm.s32 $0x1B8E;
	s24 =	sld [smem:$0x3FFE];
	[sflag:s23] =	ssyncadd.s32 $0xFFFFFFFF  }
0xa5: {  	s26 =	simm.s32 $execute0_lowered;
	[smem:$0x3FD2] =	sst s25  }
0xa6: {  	s5 =	sshll.u32 s26, $0x1;
	_ =	strace $0x80000046;
	[dreg:$0x1] =	wrdreg $0xFFFFFFFF  }
0xa7: {  	s28 =	simm.s32 $_size_execute0_lowered;
	s3 =	sadd.s32 s3, s5;
	[dreg:$0x0] =	wrdreg $0x0  }
0xa8: {  	s5 =	sshll.u32 s28, $0x1;
	[dreg:$0x2] =	wrdreg s3  }
0xa9: {  	[dreg:$0x3] =	wrdreg s5  }
0xaa: {  	[dreg:$0x4] =	wrdreg $0xC0  }
0xab: {  	_ =	task [dreg:s7], $0x5FFFF  }
0xac: {  	[dreg:$0x1] =	wrdreg $0xFFFFFFFF  }
0xad: {  	[dreg:$0x0] =	wrdreg $0x60  }
0xae: {  	[dreg:$0x2] =	wrdreg s24  }
0xaf: {  	[dreg:$0x3] =	wrdreg s2  }
0xb0: {  	[dreg:$0x4] =	wrdreg $0xA000  }
0xb1: {  	[dreg:$0x5] =	wrdreg $0x9  }
0xb2: {  	_ =	task.clear_ibuf [dreg:s7], $0x6FFFF;
	_ =	strace $0x90000046  }
0xb3: {  	s29 =	simm.s32 $0x9;
	_ =	strace $0x80000048  }
0xb4: {  	_ =	swait.ge [sflag:s29], $0x1  }
0xb5: {  	[sflag:s29] =	ssyncadd.s32 $0xFFFFFFFF  }
0xb6: {  	_ =	strace $0x90000048  }
0xb7: {  	_ =	sfence  }
0xb8: {  	s30 =	sld [smem:$0x0];
	_ =	sdelay $0x2  }
0xb9: {  	s31 =	sshll.u32 s1, $0xD;
	s1 =	sshrl.u32 s1, $0x2  }
0xba: {  	s3 =	sand.u32 $0x4000, s31;
	s1 =	sadd.s32 s1, s30  }
0xbb: {  	s0 =	sor.u32 s3, s0;
	s1 =	sshll.u32 s1, $0x11  }
0xbc: {  	s0 =	sor.u32 s1, s0  }
0xbd: {  	s0 =	sadd.s32 $0x8F2B, s0  }
0xbe: {  	[sflag:s0] =	ssyncadd.remote.s32 $0x1  }
0xbf: {  	_ =	sfence.sel $0xFFFF  }
0xc0: {  	[dreg:$0x0] =	wrdreg $0xFFFFFFFF;
	(pc) =	sbr.abs _section_cstart, $3  }
0xc1: {  	[dreg:$0x1] =	wrdreg $0xFFFFFFFF  }
0xc2: {  	_ =	task.clear_ibuf [dreg:s7], $0x2FFFF;
	_ =	strace $0x9FFFFFFF  }
0xc3: {  	(tm) =	ssettm $0x7FFFFFFF  }
tec
execute0_lowered:
.L_overlay_start_1:
0x0: {  	(tag) =	ssettag $0x1  }
0x1: {  	s5 =	rddreg [dreg:$0x0]  }
0x2: {  	s1 =	rddreg [dreg:$0x1]  }
0x3: {  	s3 =	rddreg [dreg:$0x2]  }
0x4: {  	s0 =	rddreg [dreg:$0x3]  }
0x5: {  	s4 =	simm.s32 $0x0;
	s2 =	stileid.u32;
	s6 =	srdreg.scid  }
0x6: {  	s11 =	simm.s32 $0x800;
	s12 =	simm.s32 $0x2;
	s13 =	simm.s32 $0x1  }
0x7: {  	s14 =	simm.s32 $0x880;
	s15 =	simm.s32 $0x3;
	s22 =	simm.s32 $0x0  }
0x8: {  	[smem:$0x7FF] =	sst s4;
	s7 =	sshll.u32 s2, $0x4;
	s8 =	sand.u32 $0x1, s6  }
0x9: {  	p1 =	slt.u32 s2, $0x8;
	_ =	strace $0x80000047;
	s6 =	ssub.s32 $0x2, s8  }
.Ltmp0:
0xa: {  	p0 =	seq.s32 s8, $0x0;
	s9 =	sadd.s32 s7, s5;
	(pc) =	sbr.rel .LBB2_1-.Ltmp0, $4  }
0xb: {  	s5 =	sadd.s32 $0x1200, s5;
	s7 =	sadd.s32 s7, s3;
	s16 =	sor.u32 s2, s8  }
0xc: {  	s10 =	sshrl.u32 s6, $0x1;
	p0 =	por !p0, !p1;
	p1 =	sne.s32 s16, $0x0  }
0xd: {  	v1 =	vlaneseq.u32;
	v0 =	vmov s2;
	s10 =	ssub.s32 s6, s10;
	p0 =	por !p0, !p0;
	s6 =	sadd.s32 $0xA00, s9  }
0xe: {  	vm0 =	veq.s32 v0, v1;
	v0 =	vimm.s32 $0x0;
	s9 =	simm.s32 $0x80;
	s8 =	smax.u32 s10, $0x1;
	s10 =	simm.s32 $0x400  }
.LBB2_11:
0xf: {  	[bflag:$0x0] =	sbarrier.arrive $0xFFFF;
	s16 =	simm.s32 @!p1 $0x900  }
0x10: {  	[tilespmem:s16], [sflag:$0x3] =	stream.linear.gather @!p1 [spmem:s3], $0x80, $0x38;
	[tilespmem:$0xA08] =	vst v63  }
0x11: {  	s16 =	simm.s32 @!p1 $0x3  }
0x12: {  	_ =	swait.ge @!p1 [sflag:s16], $0x80  }
0x13: {  	[sflag:s16] =	ssyncset.done @!p1 $0x0  }
0x14: {  	[sflag:s16] =	ssyncadd.s32 @!p1 $0xFFFFFF80  }
0x15: {  	v1 =	vld @!p1 [tilespmem:$0x900];
	_ =	sdelay $0x1  }
0x16: {  	v2 =	vld @!p1 [tilespmem:$0x910];
	_ =	sdelay $0x1  }
0x17: {  	v3 =	vld @!p1 [tilespmem:$0x920]  }
0x18: {  	v1 =	vadd.f32 @!p1 $0.0e+00, v1  }
0x19: {  	v4 =	vld @!p1 [tilespmem:$0x930]  }
0x1a: {  	v1 =	vadd.f32 @!p1 v2, v1  }
0x1b: {  	v2 =	vld @!p1 [tilespmem:$0x940]  }
0x1c: {  	v1 =	vadd.f32 @!p1 v3, v1  }
0x1d: {  	v3 =	vld @!p1 [tilespmem:$0x950]  }
0x1e: {  	v1 =	vadd.f32 @!p1 v4, v1  }
0x1f: {  	v4 =	vld @!p1 [tilespmem:$0x960]  }
0x20: {  	v1 =	vadd.f32 @!p1 v2, v1  }
0x21: {  	v2 =	vld @!p1 [tilespmem:$0x970]  }
0x22: {  	v1 =	vadd.f32 @!p1 v3, v1;
	_ =	sdelay $0x1  }
0x23: {  	v1 =	vadd.f32 @!p1 v4, v1;
	_ =	sdelay $0x1  }
0x24: {  	v1 =	vadd.f32 @!p1 v2, v1;
	_ =	sdelay $0x1  }
0x25: {  	(xrf2) =	vadd.scan.msk.f32 @!p1 $0xffff, v1;
	_ =	sdelay $0x9  }
0x26: {  	v1, _, _ =	vpop @!p1 (xrf2)  }
0x27: {  	s4 =	sadd.s32 $0x1, s4;
	v1 =	vbroadcast @!p1 v1, $0xF  }
0x28: {  	p2 =	sne.s32 s4, s8  }
.Ltmp1:
0x29: {  	s17 =	simm.s32 @!p1 $0x0;
	s18 =	simm.s32 @!p1 $0x980;
	[tilespmem:$0x980] =	vst @!p1 v1;
	(pc) =	sbr.rel @!p2 .LBB2_12-.Ltmp1, $4  }
0x2a: {  	[hbm4b:s1+s17] =	stream.linear.scatter @!p1 [tilespmem:s18], [sflag:$0x3], $0x80, $0x38;
	[tilespmem:$0xA08] =	vst v63  }
0x2b: {  	_ =	swait.ge @!p1 [sflag:s16], $0x80  }
0x2c: {  	[sflag:s16] =	ssyncset.done @!p1 $0x0  }
0x2d: {  	[sflag:s16] =	ssyncadd.s32 @!p1 $0xFFFFFF80  }
.LBB2_1:
.Ltmp2:
0x2e: {  	(pc) =	sbr.rel @!p0 .LBB2_11-.Ltmp2, $1  }
0x2f: {  	_ =	sdelay $0x3  }
0x30: {  	s16 =	simm.s32 $0x0  }
0x31: {  	[tilespmem:s16], [sflag:$0x1] =	stream.strided.gather [hbm4b:s6+s9], $0x800, s10, s9, $0x38;
	[tilespmem:$0xA08] =	vst v63  }
0x32: {  	_ = 	snop  }
0x33: {  	[tilespmem:s11], [sflag:$0x2] =	stream.linear.gather [hbm4b:s5+s16], $0x80, $0x38;
	[tilespmem:$0xA08] =	vst v63  }
0x34: {  	_ =	swait.ge [sflag:s12], $0x80  }
0x35: {  	[sflag:s12] =	ssyncset.done $0x0  }
0x36: {  	[sflag:s12] =	ssyncadd.s32 $0xFFFFFF80  }
0x37: {  	_ =	swait.ge [sflag:s13], $0x800  }
0x38: {  	[sflag:s13] =	ssyncset.done $0x0  }
0x39: {  	s31 =	simm.s32 $0x0;
	[sflag:s13] =	ssyncadd.s32 $0xFFFFF800  }
0x3a: {  	v1 =	vld [tilespmem:s31+$0x0];
	_ =	sdelay $0x1  }
0x3b: {  	v2 =	vld [tilespmem:s31+$0x10];
	_ =	sdelay $0x1  }
0x3c: {  	v3 =	vimm.s32 $0x7F7FFFFF;
	v4 =	vimm.s32 $0x0;
	v5 =	vld [tilespmem:s31+$0x20]  }
0x3d: {  	vm1 =	vlt.s32 v3, v1;
	vm2 =	vgt.s32 v4, v1  }
0x3e: {  	v3 =	vsel vm1, v3, v1;
	v1 =	vsel vm2, v4, v1;
	v4 =	vld [tilespmem:s31+$0x30]  }
0x3f: {  	vm1 =	vlt.s32 v3, v2;
	vm2 =	vgt.s32 v1, v2  }
0x40: {  	v7 =	vld [tilespmem:s31+$0x40];
	v3 =	vsel vm1, v3, v2;
	v1 =	vsel vm2, v1, v2  }
0x41: {  	vm1 =	vlt.s32 v3, v5;
	vm2 =	vgt.s32 v1, v5  }
0x42: {  	v6 =	vsel vm1, v3, v5;
	v1 =	vsel vm2, v1, v5;
	v3 =	vld [tilespmem:s31+$0x50]  }
0x43: {  	vm1 =	vlt.s32 v6, v4;
	vm2 =	vgt.s32 v1, v4  }
0x44: {  	v5 =	vld [tilespmem:s31+$0x60];
	v6 =	vsel vm1, v6, v4;
	v4 =	vsel vm2, v1, v4  }
0x45: {  	v2 =	vld [tilespmem:$0x800];
	vm1 =	vlt.s32 v6, v7;
	vm2 =	vgt.s32 v4, v7  }
0x46: {  	v6 =	vsel vm1, v6, v7;
	v7 =	vsel vm2, v4, v7;
	v4 =	vld [tilespmem:s31+$0x70]  }
0x47: {  	s17 =	simm.s32 $0x400;
	s16 =	simm.s32 $0x80;
	v1 =	vld [tilespmem:$0x810];
	vm1 =	vlt.s32 v6, v3;
	vm2 =	vgt.s32 v7, v3  }
.LBB2_3:
0x48: {  	p2 =	sne.s32 s17, $0x1E00;
	v8 =	vld [tilespmem:s16+$0x0];
	v6 =	vsel vm1, v6, v3;
	v3 =	vsel vm2, v7, v3  }
0x49: {  	vm1 =	vlt.s32 v6, v5;
	vm2 =	vgt.s32 v3, v5  }
0x4a: {  	v7 =	vld [tilespmem:s16+$0x10];
	v6 =	vsel vm1, v6, v5;
	v3 =	vsel vm2, v3, v5  }
0x4b: {  	vm1 =	vlt.s32 v6, v4;
	vm2 =	vgt.s32 v3, v4  }
0x4c: {  	v5 =	vld [tilespmem:s16+$0x20];
	v6 =	vsel vm1, v6, v4;
	v3 =	vsel vm2, v3, v4  }
0x4d: {  	vm1 =	vlt.s32 v6, v8;
	vm2 =	vgt.s32 v3, v8  }
0x4e: {  	v4 =	vsel vm1, v6, v8;
	v3 =	vsel vm2, v3, v8;
	v6 =	vld [tilespmem:s16+$0x30]  }
0x4f: {  	vm1 =	vlt.s32 v4, v7;
	vm2 =	vgt.s32 v3, v7  }
0x50: {  	v4 =	vsel vm1, v4, v7;
	v3 =	vsel vm2, v3, v7;
	v7 =	vld [tilespmem:s16+$0x40]  }
0x51: {  	vm1 =	vlt.s32 v4, v5;
	vm2 =	vgt.s32 v3, v5  }
0x52: {  	v4 =	vsel vm1, v4, v5;
	v5 =	vsel vm2, v3, v5;
	v3 =	vld [tilespmem:s16+$0x50]  }
.Ltmp3:
0x53: {  	vm1 =	vlt.s32 v4, v6;
	vm2 =	vgt.s32 v5, v6;
	(pc) =	sbr.rel @p2 .LBB2_3-.Ltmp3, $4  }
0x54: {  	v4 =	vsel vm1, v4, v6;
	v8 =	vsel vm2, v5, v6;
	v5 =	vld [tilespmem:s16+$0x60]  }
0x55: {  	vm1 =	vlt.s32 v4, v7;
	vm2 =	vgt.s32 v8, v7  }
0x56: {  	v6 =	vsel vm1, v4, v7;
	v7 =	vsel vm2, v8, v7;
	v4 =	vld [tilespmem:s16+$0x70]  }
0x57: {  	s16 =	sshra.s32 s17, $0x2;
	s17 =	sadd.s32 $0x200, s17;
	vm1 =	vlt.s32 v6, v3;
	vm2 =	vgt.s32 v7, v3  }
0x58: {  	v8 =	vld [tilespmem:s16+$0x0];
	v6 =	vsel vm1, v6, v3  }
0x59: {  	v3 =	vsel vm2, v7, v3;
	vm1 =	vlt.s32 v6, v5  }
0x5a: {  	v54 =	vld [tilespmem:s16+$0x10];
	vm2 =	vgt.s32 v3, v5;
	v6 =	vsel vm1, v6, v5  }
0x5b: {  	v3 =	vsel vm2, v3, v5;
	vm1 =	vlt.s32 v6, v4  }
0x5c: {  	v55 =	vld [tilespmem:s16+$0x20];
	vm2 =	vgt.s32 v3, v4;
	v6 =	vsel vm1, v6, v4  }
0x5d: {  	v3 =	vsel vm2, v3, v4;
	vm1 =	vlt.s32 v6, v8  }
0x5e: {  	v57 =	vld [tilespmem:s16+$0x30];
	vm2 =	vgt.s32 v3, v8;
	v56 =	vsel vm1, v6, v8  }
0x5f: {  	v3 =	vsel vm2, v3, v8;
	vm1 =	vlt.s32 v56, v54  }
0x60: {  	v58 =	vld [tilespmem:s16+$0x40];
	vm2 =	vgt.s32 v3, v54;
	v4 =	vsel vm1, v56, v54  }
0x61: {  	v3 =	vsel vm2, v3, v54;
	vm1 =	vlt.s32 v4, v55  }
0x62: {  	v59 =	vld [tilespmem:s16+$0x50];
	vm2 =	vgt.s32 v3, v55;
	v4 =	vsel vm1, v4, v55  }
0x63: {  	v3 =	vsel vm2, v3, v55;
	vm1 =	vlt.s32 v4, v57  }
0x64: {  	v60 =	vld [tilespmem:s16+$0x60];
	v61 =	vtrunc.f32 v2;
	vm2 =	vgt.s32 v3, v57;
	v4 =	vsel vm1, v4, v57  }
0x65: {  	v8 =	vcvt.f32.s32 v61;
	v3 =	vsel vm2, v3, v57;
	vm1 =	vlt.s32 v4, v58  }
0x66: {  	vm2 =	vgt.s32 v3, v58;
	v4 =	vsel vm1, v4, v58;
	vm1 =	vgt.f32 v2, v61;
	v2 =	vld [tilespmem:s16+$0x70]  }
0x67: {  	v3 =	vsel vm2, v3, v58;
	vm2 =	vlt.s32 v4, v59;
	v62 =	vsel vm1, $0x1, v0  }
0x68: {  	vm1 =	vgt.s32 v3, v59;
	v4 =	vsel vm2, v4, v59;
	v7 =	vadd.s32 v8, v62  }
0x69: {  	v3 =	vsel vm1, v3, v59;
	vm1 =	vlt.s32 v4, v60;
	vm2 =	vgt.s32 v7, $0x0  }
0x6a: {  	v4 =	vsel vm1, v4, v60;
	vm1 =	vgt.s32 v3, v60;
	v63 =	vnsel vm2, $0x0, v7  }
0x6b: {  	v3 =	vsel vm1, v3, v60;
	vm1 =	vlt.s32 v4, v2;
	v5 =	vmin.u32 v63, $0x800  }
0x6c: {  	vm2 =	vgt.s32 v3, v2;
	v4 =	vsel vm1, v4, v2;
	v5 =	vnsel vm0, $0x0, v5  }
0x6d: {  	v2 =	vsel vm2, v3, v2;
	(xrf0) =	vadd.scan.msk.s32 $0xffff, v5;
	v3 =	vxor.u32 $0x80000000, v4  }
0x6e: {  	(xrf0) =	vmin.scan.msk.u32 $0xffff, v3;
	v2 =	vxor.u32 $0x80000000, v2  }
0x6f: {  	(xrf0) =	vmax.scan.msk.u32 $0xffff, v2;
	_ =	sdelay $0x3  }
0x70: {  	v2, _, _ =	vpop (xrf0)  }
0x71: {  	v3, _, _ =	vpop (xrf0);
	(v2sf) =	vpush v2, $0xF  }
0x72: {  	(v2sf) =	vpush v3, $0xF;
	v2, _, _ =	vpop (xrf0)  }
0x73: {  	(v2sf) =	vpush v2, $0xF;
	_ =	sdelay $0xc  }
0x74: {  	s16 =	spop (v2sf)  }
0x75: {  	s17 =	spop (v2sf)  }
0x76: {  	s18 =	spop (v2sf)  }
0x77: {  	s17 =	sxor.u32 $0x80000000, s17;
	s18 =	sxor.u32 $0x80000000, s18  }
0x78: {  	p2 =	sge.s32 s17, s18  }
.Ltmp4:
0x79: {  	_ = 	snop;
	(pc) =	sbr.rel @p2 .LBB2_8-.Ltmp4, $1  }
0x7a: {  	_ =	sdelay $0x3  }
.LBB2_5:
0x7b: {  	v3 =	vld [tilespmem:s22+$0x0]  }
0x7c: {  	s19 =	ssub.s32 s18, s17;
	v5 =	vld [tilespmem:s22+$0x10]  }
0x7d: {  	v7 =	vld [tilespmem:s22+$0x20];
	s19 =	sshra.s32 s19, $0x1  }
0x7e: {  	v6 =	vld [tilespmem:s22+$0x30];
	s19 =	sadd.s32 s17, s19  }
0x7f: {  	v4 =	vld [tilespmem:s22+$0x40];
	v2 =	vmov s19  }
0x80: {  	vm1 =	vle.s32 v3, v2;
	v3 =	vld [tilespmem:s22+$0x50]  }
0x81: {  	v8 =	vimm.s32 $0x0;
	v9 =	vsel vm1, $0x1, v0;
	vm1 =	vle.s32 v5, v2;
	v5 =	vld [tilespmem:s22+$0x60]  }
0x82: {  	s20 =	simm.s32 $0x80;
	s21 =	simm.s32 $0x400;
	v8 =	vadd.s32 v9, v8;
	v9 =	vsel vm1, $0x1, v0;
	vm1 =	vle.s32 v7, v2;
	v7 =	vld [tilespmem:s22+$0x70]  }
.LBB2_6:
0x83: {  	p2 =	sne.s32 s21, $0x1E00;
	v10 =	vld [tilespmem:s20+$0x0];
	v8 =	vadd.s32 v9, v8;
	v9 =	vsel vm1, $0x1, v0;
	vm1 =	vle.s32 v6, v2  }
0x84: {  	v11 =	vld [tilespmem:s20+$0x10];
	v6 =	vadd.s32 v9, v8;
	v8 =	vsel vm1, $0x1, v0;
	vm1 =	vle.s32 v4, v2  }
0x85: {  	v12 =	vld [tilespmem:s20+$0x20];
	v4 =	vadd.s32 v8, v6;
	v8 =	vsel vm1, $0x1, v0;
	vm1 =	vle.s32 v3, v2  }
.Ltmp5:
0x86: {  	v6 =	vld [tilespmem:s20+$0x30];
	v3 =	vadd.s32 v8, v4;
	v8 =	vsel vm1, $0x1, v0;
	vm1 =	vle.s32 v5, v2;
	(pc) =	sbr.rel @p2 .LBB2_6-.Ltmp5, $4  }
0x87: {  	v4 =	vld [tilespmem:s20+$0x40];
	v5 =	vadd.s32 v8, v3;
	v8 =	vsel vm1, $0x1, v0;
	vm1 =	vle.s32 v7, v2  }
0x88: {  	vm2 =	vle.s32 v10, v2;
	v3 =	vld [tilespmem:s20+$0x50];
	v7 =	vadd.s32 v8, v5;
	v8 =	vsel vm1, $0x1, v0  }
0x89: {  	v9 =	vsel vm2, $0x1, v0;
	vm1 =	vle.s32 v11, v2;
	v5 =	vld [tilespmem:s20+$0x60];
	v7 =	vadd.s32 v8, v7  }
0x8a: {  	v8 =	vadd.s32 v9, v7;
	v9 =	vsel vm1, $0x1, v0;
	vm1 =	vle.s32 v12, v2;
	v7 =	vld [tilespmem:s20+$0x70];
	s20 =	sshra.s32 s21, $0x2;
	s21 =	sadd.s32 $0x200, s21  }
0x8b: {  	v10 =	vld [tilespmem:s20+$0x0];
	v8 =	vadd.s32 v9, v8;
	v47 =	vsel vm1, $0x1, v0;
	vm1 =	vle.s32 v6, v2  }
0x8c: {  	v48 =	vld [tilespmem:s20+$0x10];
	v8 =	vadd.s32 v47, v8;
	v49 =	vsel vm1, $0x1, v0;
	vm1 =	vle.s32 v4, v2  }
0x8d: {  	v50 =	vld [tilespmem:s20+$0x20];
	v8 =	vadd.s32 v49, v8;
	v51 =	vsel vm1, $0x1, v0;
	vm1 =	vle.s32 v3, v2  }
0x8e: {  	v3 =	vld [tilespmem:s20+$0x30];
	v8 =	vadd.s32 v51, v8;
	v52 =	vsel vm1, $0x1, v0;
	vm1 =	vle.s32 v5, v2  }
0x8f: {  	v53 =	vld [tilespmem:s20+$0x40];
	v8 =	vadd.s32 v52, v8;
	v54 =	vsel vm1, $0x1, v0;
	vm1 =	vle.s32 v7, v2  }
0x90: {  	v55 =	vld [tilespmem:s20+$0x50];
	vm2 =	vle.s32 v10, v2;
	v8 =	vadd.s32 v54, v8;
	v56 =	vsel vm1, $0x1, v0  }
0x91: {  	v57 =	vld [tilespmem:s20+$0x60];
	vm1 =	vle.s32 v48, v2;
	v10 =	vsel vm2, $0x1, v0;
	v8 =	vadd.s32 v56, v8  }
0x92: {  	v59 =	vld [tilespmem:s20+$0x70];
	v58 =	vsel vm1, $0x1, v0;
	vm1 =	vle.s32 v50, v2;
	v8 =	vadd.s32 v10, v8  }
0x93: {  	v60 =	vsel vm1, $0x1, v0;
	vm1 =	vle.s32 v3, v2;
	v8 =	vadd.s32 v58, v8  }
0x94: {  	v61 =	vsel vm1, $0x1, v0;
	vm1 =	vle.s32 v53, v2;
	v3 =	vadd.s32 v60, v8  }
0x95: {  	v5 =	vsel vm1, $0x1, v0;
	vm1 =	vle.s32 v55, v2;
	v3 =	vadd.s32 v61, v3  }
0x96: {  	v62 =	vsel vm1, $0x1, v0;
	vm1 =	vle.s32 v57, v2;
	v3 =	vadd.s32 v5, v3  }
0x97: {  	v63 =	vsel vm1, $0x1, v0;
	vm1 =	vle.s32 v59, v2;
	v3 =	vadd.s32 v62, v3  }
0x98: {  	v2 =	vadd.s32 v63, v3;
	v3 =	vsel vm1, $0x1, v0  }
0x99: {  	v2 =	vadd.s32 v3, v2  }
0x9a: {  	(xrf0) =	vadd.scan.msk.s32 $0xffff, v2;
	_ =	sdelay $0x5  }
0x9b: {  	v2, _, _ =	vpop (xrf0)  }
0x9c: {  	(v2sf) =	vpush v2, $0xF;
	_ =	sdelay $0xe  }
0x9d: {  	s31 =	spop (v2sf)  }
0x9e: {  	s20 =	sadd.s32 $0x1, s19;
	p2 =	slt.s32 s31, s16  }
0x9f: {  	s17 =	smov.u32 @p2 s20;
	s19 =	smov.u32 @p2 s18  }
0xa0: {  	p2 =	slt.s32 s17, s19  }
.Ltmp6:
0xa1: {  	_ = 	snop;
	(pc) =	sbr.rel @p2 .LBB2_5-.Ltmp6, $2  }
0xa2: {  	_ =	sdelay $0x2  }
0xa3: {  	s18 =	smov.u32 s19  }
.LBB2_8:
0xa4: {  	s18 =	simm.s32 $0x0  }
0xa5: {  	v5 =	vld [tilespmem:s18+$0x0];
	_ =	sdelay $0x1  }
0xa6: {  	v6 =	vld [tilespmem:s18+$0x10]  }
0xa7: {  	v3 =	vld [tilespmem:s18+$0x70]  }
0xa8: {  	v2 =	vmov s17;
	v7 =	vld [tilespmem:s18+$0x20]  }
0xa9: {  	v9 =	vld [tilespmem:s18+$0x30];
	vm5 =	vgt.s32 v2, v5  }
0xaa: {  	v8 =	vimm.f32 $0.0e+00;
	v4 =	vld [tilespmem:s18+$0x60];
	v5 =	vnsel vm5, $0x0, v5  }
0xab: {  	v10 =	vld [tilespmem:s18+$0x40];
	vm6 =	vgt.s32 v2, v6;
	v8 =	vadd.f32 v5, v8  }
0xac: {  	v6 =	vnsel vm6, $0x0, v6;
	v5 =	vld [tilespmem:s18+$0x50]  }
0xad: {  	vm7 =	vgt.s32 v2, v7;
	v6 =	vadd.f32 v6, v8  }
0xae: {  	vm4 =	vgt.s32 v2, v9;
	v7 =	vnsel vm7, $0x0, v7  }
0xaf: {  	vm1 =	vgt.s32 v2, v3;
	vm2 =	vgt.s32 v2, v4;
	v6 =	vadd.f32 v7, v6  }
0xb0: {  	v8 =	vimm.s32 $0x0;
	v7 =	vnsel vm4, $0x0, v9;
	v9 =	vsel vm5, $0x1, v0  }
0xb1: {  	vm5 =	vgt.s32 v2, v10;
	vm3 =	vgt.s32 v2, v5;
	v6 =	vadd.f32 v7, v6  }
0xb2: {  	v7 =	vadd.s32 v9, v8;
	v8 =	vsel vm6, $0x1, v0;
	v9 =	vnsel vm5, $0x0, v10  }
0xb3: {  	s17 =	simm.s32 $0x80;
	s18 =	simm.s32 $0x400;
	v7 =	vadd.s32 v8, v7;
	v8 =	vsel vm7, $0x1, v0;
	v6 =	vadd.f32 v9, v6  }
.LBB2_9:
0xb4: {  	p2 =	sne.s32 s18, $0x1E00;
	v9 =	vld [tilespmem:s17+$0x0];
	v7 =	vadd.s32 v8, v7;
	v8 =	vsel vm4, $0x1, v0;
	v5 =	vnsel vm3, $0x0, v5  }
0xb5: {  	v7 =	vadd.s32 v8, v7;
	v8 =	vsel vm5, $0x1, v0;
	v5 =	vadd.f32 v5, v6  }
0xb6: {  	v4 =	vnsel vm2, $0x0, v4;
	v6 =	vld [tilespmem:s17+$0x10];
	v7 =	vadd.s32 v8, v7;
	v8 =	vsel vm3, $0x1, v0  }
0xb7: {  	v10 =	vld [tilespmem:s17+$0x70];
	v7 =	vadd.s32 v8, v7;
	v5 =	vadd.f32 v4, v5;
	v4 =	vsel vm2, $0x1, v0  }
0xb8: {  	v3 =	vnsel vm1, $0x0, v3;
	v11 =	vsel vm1, $0x1, v0;
	v8 =	vld [tilespmem:s17+$0x20];
	v7 =	vadd.s32 v4, v7  }
0xb9: {  	vm5 =	vgt.s32 v2, v9;
	v4 =	vld [tilespmem:s17+$0x60];
	v13 =	vadd.f32 v3, v5;
	v7 =	vadd.s32 v11, v7  }
0xba: {  	v5 =	vnsel vm5, $0x0, v9;
	v9 =	vld [tilespmem:s17+$0x30]  }
0xbb: {  	v11 =	vadd.f32 v5, v13;
	vm6 =	vgt.s32 v2, v6;
	v5 =	vld [tilespmem:s17+$0x50]  }
0xbc: {  	v6 =	vnsel vm6, $0x0, v6;
	v12 =	vld [tilespmem:s17+$0x40];
	v3 =	vmov v10  }
0xbd: {  	v6 =	vadd.f32 v6, v11;
	vm7 =	vgt.s32 v2, v8  }
0xbe: {  	v8 =	vnsel vm7, $0x0, v8  }
.Ltmp7:
0xbf: {  	vm1 =	vgt.s32 v2, v3;
	v6 =	vadd.f32 v8, v6;
	vm4 =	vgt.s32 v2, v9;
	(pc) =	sbr.rel @p2 .LBB2_9-.Ltmp7, $4  }
0xc0: {  	vm2 =	vgt.s32 v2, v4;
	v8 =	vnsel vm4, $0x0, v9;
	vm3 =	vgt.s32 v2, v5  }
0xc1: {  	v9 =	vsel vm5, $0x1, v0;
	v6 =	vadd.f32 v8, v6;
	vm5 =	vgt.s32 v2, v12  }
0xc2: {  	v7 =	vadd.s32 v9, v7;
	v8 =	vsel vm6, $0x1, v0;
	v9 =	vnsel vm5, $0x0, v12  }
0xc3: {  	s17 =	sshra.s32 s18, $0x2;
	s18 =	sadd.s32 $0x200, s18;
	v7 =	vadd.s32 v8, v7;
	v8 =	vsel vm7, $0x1, v0;
	v6 =	vadd.f32 v9, v6  }
0xc4: {  	v9 =	vld [tilespmem:s17+$0x0]  }
0xc5: {  	v7 =	vadd.s32 v8, v7;
	v38 =	vsel vm4, $0x1, v0;
	v10 =	vld [tilespmem:s17+$0x10]  }
0xc6: {  	v5 =	vnsel vm3, $0x0, v5;
	v39 =	vsel vm5, $0x1, v0;
	v11 =	vld [tilespmem:s17+$0x20];
	v7 =	vadd.s32 v38, v7  }
0xc7: {  	v41 =	vsel vm3, $0x1, v0;
	v42 =	vld [tilespmem:s17+$0x30];
	v4 =	vnsel vm2, $0x0, v4;
	v40 =	vadd.s32 v39, v7  }
0xc8: {  	v43 =	vsel vm2, $0x1, v0;
	v12 =	vld [tilespmem:s17+$0x40];
	v5 =	vadd.f32 v5, v6;
	v6 =	vadd.s32 v41, v40  }
0xc9: {  	v44 =	vsel vm1, $0x1, v0;
	v13 =	vld [tilespmem:s17+$0x50];
	v6 =	vadd.s32 v43, v6;
	vm2 =	vgt.s32 v2, v9  }
0xca: {  	v14 =	vld [tilespmem:s17+$0x60];
	v6 =	vadd.s32 v44, v6;
	vm3 =	vgt.s32 v2, v10;
	v45 =	vsel vm2, $0x1, v0  }
0xcb: {  	v15 =	vld [tilespmem:s17+$0x70];
	vm14 =	vgt.s32 v2, v11;
	v46 =	vsel vm3, $0x1, v0;
	v6 =	vadd.s32 v45, v6  }
0xcc: {  	vm15 =	vgt.s32 v2, v42;
	v47 =	vsel vm14, $0x1, v0;
	v6 =	vadd.s32 v46, v6  }
0xcd: {  	vm6 =	vgt.s32 v2, v12;
	v48 =	vsel vm15, $0x1, v0;
	v6 =	vadd.s32 v47, v6  }
0xce: {  	vm7 =	vgt.s32 v2, v13;
	v49 =	vsel vm6, $0x1, v0;
	v6 =	vadd.s32 v48, v6  }
0xcf: {  	vm8 =	vgt.s32 v2, v14;
	v50 =	vsel vm7, $0x1, v0;
	v6 =	vadd.s32 v49, v6  }
0xd0: {  	vm9 =	vgt.s32 v2, v15;
	v51 =	vsel vm8, $0x1, v0;
	v6 =	vadd.s32 v50, v6  }
0xd1: {  	v4 =	vadd.f32 v4, v5;
	v53 =	vsel vm9, $0x1, v0;
	v52 =	vadd.s32 v51, v6  }
0xd2: {  	v3 =	vnsel vm1, $0x0, v3;
	v5 =	vadd.s32 v53, v52  }
0xd3: {  	v3 =	vadd.f32 v3, v4;
	(xrf0) =	vadd.scan.msk.s32 $0xffff, v5  }
0xd4: {  	v54 =	vnsel vm2, $0x0, v9  }
0xd5: {  	v3 =	vadd.f32 v54, v3  }
0xd6: {  	v55 =	vnsel vm3, $0x0, v10  }
0xd7: {  	v3 =	vadd.f32 v55, v3  }
0xd8: {  	v56 =	vnsel vm14, $0x0, v11  }
0xd9: {  	v3 =	vadd.f32 v56, v3;
	v57, _, _ =	vpop (xrf0)  }
0xda: {  	v58 =	vnsel vm15, $0x0, v42;
	(v2sf) =	vpush v57, $0xF  }
0xdb: {  	v3 =	vadd.f32 v58, v3  }
0xdc: {  	v59 =	vnsel vm6, $0x0, v12  }
0xdd: {  	v3 =	vadd.f32 v59, v3  }
0xde: {  	v60 =	vnsel vm7, $0x0, v13  }
0xdf: {  	v3 =	vadd.f32 v60, v3  }
0xe0: {  	v61 =	vnsel vm8, $0x0, v14  }
0xe1: {  	v3 =	vadd.f32 v61, v3  }
0xe2: {  	v62 =	vnsel vm9, $0x0, v15  }
0xe3: {  	v3 =	vadd.f32 v62, v3;
	_ =	sdelay $0x1  }
0xe4: {  	(xrf2) =	vadd.scan.msk.f32 $0xffff, v3;
	_ =	sdelay $0x3  }
0xe5: {  	s31 =	spop (v2sf)  }
0xe6: {  	s16 =	ssub.s32 s16, s31  }
0xe7: {  	v3 =	vmov s16  }
0xe8: {  	v3 =	vcvt.s32.f32 v3;
	_ =	sdelay $0x1  }
0xe9: {  	v3 =	vbroadcast v3, $0x0  }
0xea: {  	v63, _, _ =	vpop (xrf2)  }
0xeb: {  	v4 =	vbroadcast v63, $0xF;
	v2 =	vmul.f32 v2, v3;
	_ =	sdelay $0x1  }
0xec: {  	v2 =	vadd.f32 v2, v4;
	_ =	sdelay $0x1  }
0xed: {  	v1 =	vmul.f32 v2, v1;
	_ =	sdelay $0x1  }
0xee: {  	v1 =	vnsel vm0, $0x0, v1  }
.Ltmp8:
0xef: {  	[tilespmem:$0x880] =	vst v1;
	(pc) =	sbr.rel .LBB2_11-.Ltmp8, $4  }
0xf0: {  	[spmem:s7] =	stream.linear.scatter [tilespmem:s14], [sflag:$0x3], $0x10, $0x38;
	[tilespmem:$0xA08] =	vst v63  }
0xf1: {  	_ =	swait.ge [sflag:s15], $0x10  }
0xf2: {  	[sflag:s15] =	ssyncset.done $0x0  }
0xf3: {  	[sflag:s15] =	ssyncadd.s32 $0xFFFFFFF0  }
.LBB2_12:
0xf4: {  	_ =	sfence.sel $0x180000  }
0xf5: {  	[bflag:$0x0] =	sbarrier.arrive $0xFFFF  }
0xf6: {  	p0 =	sne.s32 s2, $0x0;
	_ =	strace $0x90000047  }
0xf7: {  	s0 =	sadd.s32 @!p0 $0x100000, s0;
	[bflag:$0x2] =	sbarrier.arrive $0xFFFF  }
0xf8: {  	[sflag:s0] =	ssyncadd.tile.s32 @!p0 $0x1;
	_ =	shalt  }
.Lfunc_end2:
_tile_overlayer_lowered:
.L_overlay_start_2:
0xf9: {  	(tag) =	ssettag $0x2  }
0xfa: {  	s0 =	rddreg [dreg:$0x0];
	s2 =	stileid.u32  }
0xfb: {  	s1 =	rddreg [dreg:$0x1];
	p0 =	sne.s32 s2, $0x0  }
0xfc: {  	s3 =	rddreg [dreg:$0x2];
	[bflag:$0x3] =	sbarrier.arrive $0xFFFF;
	s2 =	simm.s32 @!p0 $0x1C03  }
0xfd: {  	[timem:s3], [sflag:s2] =	dma.local @!p0 [hbm:s0], s1  }
0xfe: {  	s0 =	simm.s32 @!p0 $0x3  }
0xff: {  	_ =	swait.ge @!p0 [sflag:s0], s1  }
0x100: {  	s1 =	ssub.s32 @!p0 $0x0, s1;
	[sflag:s0] =	ssyncset.done @!p0 $0x0  }
0x101: {  	[sflag:s0] =	ssyncadd.s32 @!p0 s1  }
0x102: {  	[bflag:$0x3] =	sbarrier.arrive $0xFFFF  }
0x103: {  	_ =	shalt  }

</sc_bundles>
